<compile_context>
chip_gen: v7x
topology: tpu7x:2x2x1
jax: 0.10.2.dev20260603
libtpu: 0.0.44.dev20260713+nightly
codegen_flags: <defaults>
</compile_context>

<pallas_src>
import functools

import numpy as np
import jax
import jax.numpy as jnp
from jax import lax
from jax.experimental import pallas as pl
from jax.experimental.pallas import tpu as pltpu
from jax.experimental.pallas import tpu_sc as plsc

_N = 512
_K = 128
_B = 8
_GROUPS = 2
_ROWS = _B * _GROUPS
_L = 16
_NC = 2
_SLICES = _N // _L

_jk = (np.arange(_N, dtype=np.int64)[:, None] * np.arange(_N, dtype=np.int64)[None, :]) % _N
_theta = 2.0 * np.pi * _jk.astype(np.float64) / _N
_COS = np.cos(_theta).astype(np.float32)
_SIN = np.sin(_theta).astype(np.float32)
_CPS = (_COS + _SIN).astype(np.float32)
_CMS = (_COS - _SIN).astype(np.float32)


def _dot(a, b):
    return jax.lax.dot_general(
        a, b, (((1,), (0,)), ((), ())),
        precision=jax.lax.Precision.DEFAULT,
        preferred_element_type=jnp.float32)



def _energy_kernel(xr_ref, xi_ref, e_ref):
    zr0 = xr_ref[0, 0]
    zi0 = xi_ref[0, 0]
    zr1 = xr_ref[0, 1]
    zi1 = xi_ref[0, 1]
    e_ref[0, 0] = jnp.sum(jnp.abs(jnp.abs(zr0) - jnp.abs(zi1))
                          + jnp.abs(jnp.abs(zr1) - jnp.abs(zi0)),
                          axis=0)



def _sc_mask_body(energy_hbm, mask_hbm, e_v, m_v, sem):
    wid = lax.axis_index("s") * _NC + lax.axis_index("c")

    @pl.when(wid < _ROWS)
    def _():
        pltpu.sync_copy(energy_hbm.at[wid, 0], e_v)
        one_v = jnp.full((_L,), 1, jnp.int32)
        zero_v = jnp.zeros((_L,), jnp.int32)
        lane = lax.iota(jnp.int32, _L)

        def allsum(x):
            for sh in (1, 2, 4, 8):
                x = x + jnp.take(x, lane ^ sh)
            return x

        def prefix_incl(x):
            for sh in (1, 2, 4, 8):
                shifted = jnp.take(x, jnp.maximum(lane - sh, 0))
                x = x + jnp.where(lane >= sh, shifted, zero_v)
            return x

        def count_less(cand):
            def cbody(j, acc):
                v = lax.bitcast_convert_type(e_v[pl.ds(j * _L, _L)],
                                             jnp.int32)
                return acc + jnp.where(v < cand, one_v, zero_v)
            acc = lax.fori_loop(0, _SLICES, cbody, zero_v)
            return allsum(acc)

        def bit_body(k, prefix):
            cand = prefix | lax.shift_left(one_v, jnp.int32(30) - k)
            return jnp.where(count_less(cand) < _K, cand, prefix)
        t = lax.fori_loop(0, 31, bit_body, zero_v)

        remaining = jnp.int32(_K) - count_less(t)

        def mask_body(j, cum):
            sl = pl.ds(j * _L, _L)
            v = lax.bitcast_convert_type(e_v[sl], jnp.int32)
            lt = v < t
            eq = v == t
            eq_i = jnp.where(eq, one_v, zero_v)
            pos = cum + prefix_incl(eq_i)
            take = lt | (eq & (pos <= remaining))
            m_v[sl] = jnp.where(take, jnp.full((_L,), 1.0, jnp.float32),
                                jnp.zeros((_L,), jnp.float32))
            return cum + allsum(eq_i)
        lax.fori_loop(0, _SLICES, mask_body, zero_v)

        pltpu.sync_copy(m_v, mask_hbm.at[wid, 0])


_sc_mask = functools.partial(
    pl.kernel,
    mesh=plsc.VectorSubcoreMesh(core_axis_name="c", subcore_axis_name="s"),
    out_type=jax.ShapeDtypeStruct((_ROWS, 1, _N), jnp.float32),
    scratch_types=[
        pltpu.VMEM((_N,), jnp.float32),
        pltpu.VMEM((_N,), jnp.float32),
        pltpu.SemaphoreType.DMA,
    ],
)(_sc_mask_body)



def _transform_kernel(xr_ref, xi_ref, mask_ref, c_ref, s_ref, cps_ref,
                      cms_ref, or_ref, oi_ref):
    mask = mask_ref[0]
    c = c_ref[...]
    s = s_ref[...]
    cps = cps_ref[...]
    cms = cms_ref[...]
    inv_n = jnp.float32(1.0 / _N)

    bf = jnp.bfloat16
    for ch in range(2):
        zr = xr_ref[0, ch] * inv_n
        zi = xi_ref[0, ch] * inv_n
        zr_b = zr.astype(bf)
        zi_b = zi.astype(bf)
        zs_b = (zr + zi).astype(bf)
        t1 = _dot(c, zr_b)
        t2 = _dot(s, zi_b)
        t3 = _dot(cps, zs_b)
        pr = (t1 - t2) * mask
        pi = (t3 - t1 - t2) * mask
        u1 = _dot(pr.astype(bf), c)
        u2 = _dot(pi.astype(bf), s)
        u3 = _dot((pr + pi).astype(bf), cms)
        or_ref[0, ch] = u1 + u2 + 0.5
        oi_ref[0, ch] = u3 - u1 + u2


@jax.jit
def kernel(Inp_AD_C_real, Inp_AD_C_imag):
    B, C, H, W = Inp_AD_C_real.shape
    G = _GROUPS
    chans = C // G

    img_spec = pl.BlockSpec((1, chans, H, W), lambda b, g: (b, g, 0, 0))
    row_spec = pl.BlockSpec((1, 1, W), lambda b, g: (2 * b + g, 0, 0))
    mat_spec = pl.BlockSpec((_N, _N), lambda b, g: (0, 0))

    energy = pl.pallas_call(
        _energy_kernel,
        grid=(B, G),
        compiler_params=pltpu.CompilerParams(
            dimension_semantics=("parallel", "parallel")),
        in_specs=[img_spec, img_spec],
        out_specs=row_spec,
        out_shape=jax.ShapeDtypeStruct((_ROWS, 1, W), jnp.float32),
    )(Inp_AD_C_real, Inp_AD_C_imag)

    mask = _sc_mask(energy)

    out_r, out_i = pl.pallas_call(
        _transform_kernel,
        grid=(B, G),
        compiler_params=pltpu.CompilerParams(
            dimension_semantics=("parallel", "parallel")),
        in_specs=[img_spec, img_spec, row_spec, mat_spec, mat_spec,
                  mat_spec, mat_spec],
        out_specs=[img_spec, img_spec],
        out_shape=[
            jax.ShapeDtypeStruct((B, C, H, W), jnp.float32),
            jax.ShapeDtypeStruct((B, C, H, W), jnp.float32),
        ],
    )(Inp_AD_C_real, Inp_AD_C_imag, mask,
      jnp.asarray(_COS, jnp.bfloat16), jnp.asarray(_SIN, jnp.bfloat16),
      jnp.asarray(_CPS, jnp.bfloat16), jnp.asarray(_CMS, jnp.bfloat16))

    return jax.lax.complex(out_r, out_i).astype(jnp.complex64)

# --- scband reference (transcript-rebuilt; emitter-appended) ---
"""Pipeline reference for scband-angular-select-25151328485797 (READ-ONLY COPY).

The authoritative reference and input builder live on the scoring server;
editing this copy changes nothing except your own understanding.
"""

import jax, jax.numpy as jnp
import numpy as np

THRESHOLD = 128
GROUPS = 2

def setup_inputs(seed: int = 0) -> dict:
    key = jax.random.key(seed)
    k1, k2 = jax.random.split(key)
    B, C, H, W = 8, 4, 512, 512
    xr = jax.random.normal(k1, (B, C, H, W), dtype=jnp.float32)
    xi = jax.random.normal(k2, (B, C, H, W), dtype=jnp.float32)
    return {"Inp_AD_C_real": xr, "Inp_AD_C_imag": xi}

def reference(Inp_AD_C_real, Inp_AD_C_imag):
    x = (Inp_AD_C_real + 1j * Inp_AD_C_imag).astype(jnp.complex64)
    B, C, H, W = x.shape
    groups = jnp.split(x, GROUPS, axis=1)
    outs = []
    for g in groups:
        # g: [B, 2, H, W] complex
        his1_r = jnp.sqrt(jnp.abs(jnp.real(g[:, 0, :, :])) ** 2)[:, None, :, :]  # [B,1,H,W]
        his1_i = jnp.sqrt(jnp.abs(jnp.imag(g[:, 0, :, :])) ** 2)[:, None, :, :]
        his2_r = jnp.sqrt(jnp.abs(jnp.real(g[:, 1, :, :])) ** 2)[:, None, :, :]
        his2_i = jnp.sqrt(jnp.abs(jnp.imag(g[:, 1, :, :])) ** 2)[:, None, :, :]
        d1 = jnp.sum(jnp.abs(his1_r - his2_i), axis=2)  # [B,1,W]
        d2 = jnp.sum(jnp.abs(his2_r - his1_i), axis=2)  # [B,1,W]
        energy = d1 + d2  # [B,1,W]
        # torch.sort default ascending -> take THRESHOLD smallest-energy angular bins
        idx = jnp.argsort(energy, axis=-1)[:, :, :THRESHOLD]  # [B,1,T]
        # build per-batch column mask over W
        mask_w = jax.vmap(lambda ii: jnp.zeros((W,), dtype=jnp.float32).at[ii].set(1.0))(idx[:, 0, :])  # [B,W]
        mask = mask_w[:, None, None, :]  # [B,1,1,W]
        gm = g * mask
        out = jnp.fft.fft(jnp.fft.ifft(gm, axis=-2), axis=-1) + 0.5
        outs.append(out.astype(jnp.complex64))
    return jnp.concatenate(outs, axis=1)  # [B,4,H,W] complex64

if __name__ == "__main__":
    import jax
    _d = setup_inputs()
    print(jax.jit(kernel)(*tuple(_d.values())))

</pallas_src>

<mosaic_0001>
#map = affine_map<(d0, d1) -> (0, 0, 0)>
module attributes {stable_mosaic.version = 14 : i64} {
  func.func @_sc_mask_body(%arg0: i32, %arg1: i32, %arg2: memref<16x1x512xf32, #tpu.memory_space<hbm>>, %arg3: memref<16x1x512xf32, #tpu.memory_space<hbm>>, %arg4: memref<512xf32, #tpu.memory_space<vmem>>, %arg5: memref<512xf32, #tpu.memory_space<vmem>>, %arg6: memref<!tpu.dma_semaphore, #tpu.memory_space<semaphore_mem>>) attributes {dimension_semantics = [#tpu.dimension_semantics<core_parallel>, #tpu.dimension_semantics<subcore_parallel>], iteration_bounds = array<i64: 2, 16>, scalar_prefetch = 0 : i64, scratch_operands = 3 : i64, tpu.core_type = #tpu.core_type<sc_vector_subcore>, window_params = [{transform_indices = #map}, {transform_indices = #map}]} {
    %mul3A = arith.constant 2 : i32
    %mul3A_0 = arith.muli %arg1, %mul3A : i32
    %add3A = arith.addi %mul3A_0, %arg0 : i32
    %lt3A = arith.constant 16 : i32
    %lt3A_1 = arith.cmpi slt, %add3A, %lt3A : i32
    %convert_element_type3A = arith.extui %lt3A_1 : i1 to i32
    %cond3A = arith.constant 0 : i32
    %cond3A_2 = arith.cmpi ne, %convert_element_type3A, %cond3A : i32
    scf.if %cond3A_2 {
      %run_scoped3A = arith.constant 0 : i32
      "tpu.region"() ({
        %run_scoped3A_79 = tpu.sem_alloc : memref<!tpu.dma_semaphore, #tpu.memory_space<semaphore_mem>>
        %dma_start3A = arith.constant 0 : i32
        %dma_start3A_80 = tpu.memref_slice %arg2[%add3A, %run_scoped3A, %dma_start3A] : memref<16x1x512xf32, #tpu.memory_space<hbm>> -> memref<1x1x512xf32, #tpu.memory_space<hbm>>
        %dma_start3A_81 = tpu.memref_squeeze %dma_start3A_80 : memref<1x1x512xf32, #tpu.memory_space<hbm>> -> memref<512xf32, #tpu.memory_space<hbm>>
        %dma_start3A_82 = arith.constant 0 : i32
        %dma_start3A_83 = tpu.memref_slice %arg2[%add3A, %run_scoped3A, %dma_start3A_82] : memref<16x1x512xf32, #tpu.memory_space<hbm>> -> memref<1x1x512xf32, #tpu.memory_space<hbm>>
        %dma_start3A_84 = tpu.memref_squeeze %dma_start3A_83 : memref<1x1x512xf32, #tpu.memory_space<hbm>> -> memref<512xf32, #tpu.memory_space<hbm>>
        tpu.enqueue_dma source(%dma_start3A_84 : memref<512xf32, #tpu.memory_space<hbm>>) target(%arg4 : memref<512xf32, #tpu.memory_space<vmem>>) target_semaphore(%run_scoped3A_79 : memref<!tpu.dma_semaphore, #tpu.memory_space<semaphore_mem>>)
        %dma_wait3A = arith.constant 0 : i32
        %dma_wait3A_85 = tpu.memref_slice %arg2[%add3A, %run_scoped3A, %dma_wait3A] : memref<16x1x512xf32, #tpu.memory_space<hbm>> -> memref<1x1x512xf32, #tpu.memory_space<hbm>>
        %dma_wait3A_86 = tpu.memref_squeeze %dma_wait3A_85 : memref<1x1x512xf32, #tpu.memory_space<hbm>> -> memref<512xf32, #tpu.memory_space<hbm>>
        %dma_wait3A_87 = arith.constant 0 : i32
        %dma_wait3A_88 = tpu.memref_slice %arg2[%add3A, %run_scoped3A, %dma_wait3A_87] : memref<16x1x512xf32, #tpu.memory_space<hbm>> -> memref<1x1x512xf32, #tpu.memory_space<hbm>>
        %dma_wait3A_89 = tpu.memref_squeeze %dma_wait3A_88 : memref<1x1x512xf32, #tpu.memory_space<hbm>> -> memref<512xf32, #tpu.memory_space<hbm>>
        tpu.wait_dma2 semaphore(%run_scoped3A_79 : memref<!tpu.dma_semaphore, #tpu.memory_space<semaphore_mem>>) src(%dma_wait3A_89 : memref<512xf32, #tpu.memory_space<hbm>>) dst(%arg4 : memref<512xf32, #tpu.memory_space<vmem>>)
        tpu.yield
      }) : () -> ()
      %broadcast_in_dim3A = arith.constant 1 : i32
      %broadcast_in_dim3A_3 = vector.broadcast %broadcast_in_dim3A : i32 to vector<16xi32>
      %broadcast_in_dim3A_4 = arith.constant 0 : i32
      %broadcast_in_dim3A_5 = vector.broadcast %broadcast_in_dim3A_4 : i32 to vector<16xi32>
      %iota3A = tpu.iota {dimensions = array<i32: 0>} : vector<16xi32>
      %scan3A = arith.constant 0 : i32
      %scan3A_6 = arith.constant 31 : i32
      %scan3A_7 = arith.addi %scan3A, %scan3A_6 : i32
      %scan3A_8 = arith.constant 1 : i32
      %scan3A_9 = scf.for %scan3A_79 = %scan3A to %scan3A_7 step %scan3A_8 iter_args(%scan3A_80 = %broadcast_in_dim3A_5) -> (vector<16xi32>)  : i32 {
        %sub3A_81 = arith.constant 30 : i32
        %sub3A_82 = arith.subi %sub3A_81, %scan3A_79 : i32
        %shift_left3A = vector.broadcast %sub3A_82 : i32 to vector<16xi32>
        %shift_left3A_83 = arith.shli %broadcast_in_dim3A_3, %shift_left3A : vector<16xi32>
        %or3A = arith.ori %scan3A_80, %shift_left3A_83 : vector<16xi32>
        %scan3A_84 = arith.constant 0 : i32
        %scan3A_85 = arith.constant 32 : i32
        %scan3A_86 = arith.addi %scan3A_84, %scan3A_85 : i32
        %scan3A_87 = arith.constant 1 : i32
        %scan3A_88 = scf.for %scan3A_150 = %scan3A_84 to %scan3A_86 step %scan3A_87 iter_args(%scan3A_151 = %broadcast_in_dim3A_5) -> (vector<16xi32>)  : i32 {
          %mul3A_152 = arith.constant 16 : i32
          %mul3A_153 = arith.muli %scan3A_150, %mul3A_152 : i32
          %get3A = arith.index_cast %mul3A_153 : i32 to index
          %get3A_154 = tpu.vector_load %arg4[%get3A] {strides = array<i32>} : memref<512xf32, #tpu.memory_space<vmem>>, vector<16xf32>,
          %get3A_155 = vector.shape_cast %get3A_154 : vector<16xf32> to vector<16xf32>
          %bitcast_convert_type3A = tpu.bitcast %get3A_155 : vector<16xf32> -> vector<16xi32>
          %lt3A_156 = arith.cmpi slt, %bitcast_convert_type3A, %or3A : vector<16xi32>
          %select_n3A_157 = arith.select %lt3A_156, %broadcast_in_dim3A_3, %broadcast_in_dim3A_5 : vector<16xi1>, vector<16xi32>
          %add3A_158 = arith.addi %scan3A_151, %select_n3A_157 : vector<16xi32>
          scf.yield %add3A_158 : vector<16xi32>
        }
        %scan3A_89 = arith.constant 32 : i32
        %xor3A_90 = arith.constant 1 : i32
        %xor3A_91 = vector.broadcast %xor3A_90 : i32 to vector<16xi32>
        %xor3A_92 = arith.xori %iota3A, %xor3A_91 : vector<16xi32>
        %lt3A_93 = arith.constant 0 : i32
        %lt3A_94 = vector.broadcast %lt3A_93 : i32 to vector<16xi32>
        %lt3A_95 = arith.cmpi slt, %xor3A_92, %lt3A_94 : vector<16xi32>
        %add3A_96 = arith.constant 16 : i32
        %add3A_97 = vector.broadcast %add3A_96 : i32 to vector<16xi32>
        %add3A_98 = arith.addi %xor3A_92, %add3A_97 : vector<16xi32>
        %select_n3A_99 = arith.select %lt3A_95, %add3A_98, %xor3A_92 : vector<16xi1>, vector<16xi32>
        %broadcast_in_dim3A_100 = vector.shape_cast %select_n3A_99 : vector<16xi32> to vector<16x1xi32>
        %gather3A_101 = vector.shape_cast %broadcast_in_dim3A_100 : vector<16x1xi32> to vector<16xi32>
        %gather3A_102 = tpu.dynamic_gather %scan3A_88[%gather3A_101] in [0] : vector<16xi32>, vector<16xi32> -> vector<16xi32>
        %add3A_103 = arith.addi %scan3A_88, %gather3A_102 : vector<16xi32>
        %xor3A_104 = arith.constant 2 : i32
        %xor3A_105 = vector.broadcast %xor3A_104 : i32 to vector<16xi32>
        %xor3A_106 = arith.xori %iota3A, %xor3A_105 : vector<16xi32>
        %lt3A_107 = arith.constant 0 : i32
        %lt3A_108 = vector.broadcast %lt3A_107 : i32 to vector<16xi32>
        %lt3A_109 = arith.cmpi slt, %xor3A_106, %lt3A_108 : vector<16xi32>
        %add3A_110 = arith.constant 16 : i32
        %add3A_111 = vector.broadcast %add3A_110 : i32 to vector<16xi32>
        %add3A_112 = arith.addi %xor3A_106, %add3A_111 : vector<16xi32>
        %select_n3A_113 = arith.select %lt3A_109, %add3A_112, %xor3A_106 : vector<16xi1>, vector<16xi32>
        %broadcast_in_dim3A_114 = vector.shape_cast %select_n3A_113 : vector<16xi32> to vector<16x1xi32>
        %gather3A_115 = vector.shape_cast %broadcast_in_dim3A_114 : vector<16x1xi32> to vector<16xi32>
        %gather3A_116 = tpu.dynamic_gather %add3A_103[%gather3A_115] in [0] : vector<16xi32>, vector<16xi32> -> vector<16xi32>
        %add3A_117 = arith.addi %add3A_103, %gather3A_116 : vector<16xi32>
        %xor3A_118 = arith.constant 4 : i32
        %xor3A_119 = vector.broadcast %xor3A_118 : i32 to vector<16xi32>
        %xor3A_120 = arith.xori %iota3A, %xor3A_119 : vector<16xi32>
        %lt3A_121 = arith.constant 0 : i32
        %lt3A_122 = vector.broadcast %lt3A_121 : i32 to vector<16xi32>
        %lt3A_123 = arith.cmpi slt, %xor3A_120, %lt3A_122 : vector<16xi32>
        %add3A_124 = arith.constant 16 : i32
        %add3A_125 = vector.broadcast %add3A_124 : i32 to vector<16xi32>
        %add3A_126 = arith.addi %xor3A_120, %add3A_125 : vector<16xi32>
        %select_n3A_127 = arith.select %lt3A_123, %add3A_126, %xor3A_120 : vector<16xi1>, vector<16xi32>
        %broadcast_in_dim3A_128 = vector.shape_cast %select_n3A_127 : vector<16xi32> to vector<16x1xi32>
        %gather3A_129 = vector.shape_cast %broadcast_in_dim3A_128 : vector<16x1xi32> to vector<16xi32>
        %gather3A_130 = tpu.dynamic_gather %add3A_117[%gather3A_129] in [0] : vector<16xi32>, vector<16xi32> -> vector<16xi32>
        %add3A_131 = arith.addi %add3A_117, %gather3A_130 : vector<16xi32>
        %xor3A_132 = arith.constant 8 : i32
        %xor3A_133 = vector.broadcast %xor3A_132 : i32 to vector<16xi32>
        %xor3A_134 = arith.xori %iota3A, %xor3A_133 : vector<16xi32>
        %lt3A_135 = arith.constant 0 : i32
        %lt3A_136 = vector.broadcast %lt3A_135 : i32 to vector<16xi32>
        %lt3A_137 = arith.cmpi slt, %xor3A_134, %lt3A_136 : vector<16xi32>
        %add3A_138 = arith.constant 16 : i32
        %add3A_139 = vector.broadcast %add3A_138 : i32 to vector<16xi32>
        %add3A_140 = arith.addi %xor3A_134, %add3A_139 : vector<16xi32>
        %select_n3A_141 = arith.select %lt3A_137, %add3A_140, %xor3A_134 : vector<16xi1>, vector<16xi32>
        %broadcast_in_dim3A_142 = vector.shape_cast %select_n3A_141 : vector<16xi32> to vector<16x1xi32>
        %gather3A_143 = vector.shape_cast %broadcast_in_dim3A_142 : vector<16x1xi32> to vector<16xi32>
        %gather3A_144 = tpu.dynamic_gather %add3A_131[%gather3A_143] in [0] : vector<16xi32>, vector<16xi32> -> vector<16xi32>
        %add3A_145 = arith.addi %add3A_131, %gather3A_144 : vector<16xi32>
        %lt3A_146 = arith.constant 128 : i32
        %lt3A_147 = vector.broadcast %lt3A_146 : i32 to vector<16xi32>
        %lt3A_148 = arith.cmpi slt, %add3A_145, %lt3A_147 : vector<16xi32>
        %select_n3A_149 = arith.select %lt3A_148, %or3A, %scan3A_80 : vector<16xi1>, vector<16xi32>
        scf.yield %select_n3A_149 : vector<16xi32>
      }
      %scan3A_10 = arith.constant 31 : i32
      %scan3A_11 = arith.constant 0 : i32
      %scan3A_12 = arith.constant 32 : i32
      %scan3A_13 = arith.addi %scan3A_11, %scan3A_12 : i32
      %scan3A_14 = arith.constant 1 : i32
      %scan3A_15 = scf.for %scan3A_79 = %scan3A_11 to %scan3A_13 step %scan3A_14 iter_args(%scan3A_80 = %broadcast_in_dim3A_5) -> (vector<16xi32>)  : i32 {
        %mul3A_81 = arith.constant 16 : i32
        %mul3A_82 = arith.muli %scan3A_79, %mul3A_81 : i32
        %get3A = arith.index_cast %mul3A_82 : i32 to index
        %get3A_83 = tpu.vector_load %arg4[%get3A] {strides = array<i32>} : memref<512xf32, #tpu.memory_space<vmem>>, vector<16xf32>,
        %get3A_84 = vector.shape_cast %get3A_83 : vector<16xf32> to vector<16xf32>
        %bitcast_convert_type3A = tpu.bitcast %get3A_84 : vector<16xf32> -> vector<16xi32>
        %lt3A_85 = arith.cmpi slt, %bitcast_convert_type3A, %scan3A_9 : vector<16xi32>
        %select_n3A_86 = arith.select %lt3A_85, %broadcast_in_dim3A_3, %broadcast_in_dim3A_5 : vector<16xi1>, vector<16xi32>
        %add3A_87 = arith.addi %scan3A_80, %select_n3A_86 : vector<16xi32>
        scf.yield %add3A_87 : vector<16xi32>
      }
      %scan3A_16 = arith.constant 32 : i32
      %xor3A = arith.constant 1 : i32
      %xor3A_17 = vector.broadcast %xor3A : i32 to vector<16xi32>
      %xor3A_18 = arith.xori %iota3A, %xor3A_17 : vector<16xi32>
      %lt3A_19 = arith.constant 0 : i32
      %lt3A_20 = vector.broadcast %lt3A_19 : i32 to vector<16xi32>
      %lt3A_21 = arith.cmpi slt, %xor3A_18, %lt3A_20 : vector<16xi32>
      %add3A_22 = arith.constant 16 : i32
      %add3A_23 = vector.broadcast %add3A_22 : i32 to vector<16xi32>
      %add3A_24 = arith.addi %xor3A_18, %add3A_23 : vector<16xi32>
      %select_n3A = arith.select %lt3A_21, %add3A_24, %xor3A_18 : vector<16xi1>, vector<16xi32>
      %broadcast_in_dim3A_25 = vector.shape_cast %select_n3A : vector<16xi32> to vector<16x1xi32>
      %gather3A = vector.shape_cast %broadcast_in_dim3A_25 : vector<16x1xi32> to vector<16xi32>
      %gather3A_26 = tpu.dynamic_gather %scan3A_15[%gather3A] in [0] : vector<16xi32>, vector<16xi32> -> vector<16xi32>
      %add3A_27 = arith.addi %scan3A_15, %gather3A_26 : vector<16xi32>
      %xor3A_28 = arith.constant 2 : i32
      %xor3A_29 = vector.broadcast %xor3A_28 : i32 to vector<16xi32>
      %xor3A_30 = arith.xori %iota3A, %xor3A_29 : vector<16xi32>
      %lt3A_31 = arith.constant 0 : i32
      %lt3A_32 = vector.broadcast %lt3A_31 : i32 to vector<16xi32>
      %lt3A_33 = arith.cmpi slt, %xor3A_30, %lt3A_32 : vector<16xi32>
      %add3A_34 = arith.constant 16 : i32
      %add3A_35 = vector.broadcast %add3A_34 : i32 to vector<16xi32>
      %add3A_36 = arith.addi %xor3A_30, %add3A_35 : vector<16xi32>
      %select_n3A_37 = arith.select %lt3A_33, %add3A_36, %xor3A_30 : vector<16xi1>, vector<16xi32>
      %broadcast_in_dim3A_38 = vector.shape_cast %select_n3A_37 : vector<16xi32> to vector<16x1xi32>
      %gather3A_39 = vector.shape_cast %broadcast_in_dim3A_38 : vector<16x1xi32> to vector<16xi32>
      %gather3A_40 = tpu.dynamic_gather %add3A_27[%gather3A_39] in [0] : vector<16xi32>, vector<16xi32> -> vector<16xi32>
      %add3A_41 = arith.addi %add3A_27, %gather3A_40 : vector<16xi32>
      %xor3A_42 = arith.constant 4 : i32
      %xor3A_43 = vector.broadcast %xor3A_42 : i32 to vector<16xi32>
      %xor3A_44 = arith.xori %iota3A, %xor3A_43 : vector<16xi32>
      %lt3A_45 = arith.constant 0 : i32
      %lt3A_46 = vector.broadcast %lt3A_45 : i32 to vector<16xi32>
      %lt3A_47 = arith.cmpi slt, %xor3A_44, %lt3A_46 : vector<16xi32>
      %add3A_48 = arith.constant 16 : i32
      %add3A_49 = vector.broadcast %add3A_48 : i32 to vector<16xi32>
      %add3A_50 = arith.addi %xor3A_44, %add3A_49 : vector<16xi32>
      %select_n3A_51 = arith.select %lt3A_47, %add3A_50, %xor3A_44 : vector<16xi1>, vector<16xi32>
      %broadcast_in_dim3A_52 = vector.shape_cast %select_n3A_51 : vector<16xi32> to vector<16x1xi32>
      %gather3A_53 = vector.shape_cast %broadcast_in_dim3A_52 : vector<16x1xi32> to vector<16xi32>
      %gather3A_54 = tpu.dynamic_gather %add3A_41[%gather3A_53] in [0] : vector<16xi32>, vector<16xi32> -> vector<16xi32>
      %add3A_55 = arith.addi %add3A_41, %gather3A_54 : vector<16xi32>
      %xor3A_56 = arith.constant 8 : i32
      %xor3A_57 = vector.broadcast %xor3A_56 : i32 to vector<16xi32>
      %xor3A_58 = arith.xori %iota3A, %xor3A_57 : vector<16xi32>
      %lt3A_59 = arith.constant 0 : i32
      %lt3A_60 = vector.broadcast %lt3A_59 : i32 to vector<16xi32>
      %lt3A_61 = arith.cmpi slt, %xor3A_58, %lt3A_60 : vector<16xi32>
      %add3A_62 = arith.constant 16 : i32
      %add3A_63 = vector.broadcast %add3A_62 : i32 to vector<16xi32>
      %add3A_64 = arith.addi %xor3A_58, %add3A_63 : vector<16xi32>
      %select_n3A_65 = arith.select %lt3A_61, %add3A_64, %xor3A_58 : vector<16xi1>, vector<16xi32>
      %broadcast_in_dim3A_66 = vector.shape_cast %select_n3A_65 : vector<16xi32> to vector<16x1xi32>
      %gather3A_67 = vector.shape_cast %broadcast_in_dim3A_66 : vector<16x1xi32> to vector<16xi32>
      %gather3A_68 = tpu.dynamic_gather %add3A_55[%gather3A_67] in [0] : vector<16xi32>, vector<16xi32> -> vector<16xi32>
      %add3A_69 = arith.addi %add3A_55, %gather3A_68 : vector<16xi32>
      %sub3A = arith.constant 128 : i32
      %sub3A_70 = vector.broadcast %sub3A : i32 to vector<16xi32>
      %sub3A_71 = arith.subi %sub3A_70, %add3A_69 : vector<16xi32>
      %scan3A_72 = arith.constant 0 : i32
      %scan3A_73 = arith.constant 32 : i32
      %scan3A_74 = arith.addi %scan3A_72, %scan3A_73 : i32
      %scan3A_75 = arith.constant 1 : i32
      %scan3A_76 = scf.for %scan3A_79 = %scan3A_72 to %scan3A_74 step %scan3A_75 iter_args(%scan3A_80 = %broadcast_in_dim3A_5) -> (vector<16xi32>)  : i32 {
        %mul3A_81 = arith.constant 16 : i32
        %mul3A_82 = arith.muli %scan3A_79, %mul3A_81 : i32
        %get3A = arith.index_cast %mul3A_82 : i32 to index
        %get3A_83 = tpu.vector_load %arg4[%get3A] {strides = array<i32>} : memref<512xf32, #tpu.memory_space<vmem>>, vector<16xf32>,
        %get3A_84 = vector.shape_cast %get3A_83 : vector<16xf32> to vector<16xf32>
        %bitcast_convert_type3A = tpu.bitcast %get3A_84 : vector<16xf32> -> vector<16xi32>
        %lt3A_85 = arith.cmpi slt, %bitcast_convert_type3A, %scan3A_9 : vector<16xi32>
        %eq3A = arith.cmpi eq, %bitcast_convert_type3A, %scan3A_9 : vector<16xi32>
        %select_n3A_86 = arith.select %eq3A, %broadcast_in_dim3A_3, %broadcast_in_dim3A_5 : vector<16xi1>, vector<16xi32>
        %sub3A_87 = arith.constant 1 : i32
        %sub3A_88 = vector.broadcast %sub3A_87 : i32 to vector<16xi32>
        %sub3A_89 = arith.subi %iota3A, %sub3A_88 : vector<16xi32>
        %max3A = arith.constant 0 : i32
        %max3A_90 = vector.broadcast %max3A : i32 to vector<16xi32>
        %max3A_91 = arith.maxsi %sub3A_89, %max3A_90 : vector<16xi32>
        %lt3A_92 = arith.constant 0 : i32
        %lt3A_93 = vector.broadcast %lt3A_92 : i32 to vector<16xi32>
        %lt3A_94 = arith.cmpi slt, %max3A_91, %lt3A_93 : vector<16xi32>
        %add3A_95 = arith.constant 16 : i32
        %add3A_96 = vector.broadcast %add3A_95 : i32 to vector<16xi32>
        %add3A_97 = arith.addi %max3A_91, %add3A_96 : vector<16xi32>
        %select_n3A_98 = arith.select %lt3A_94, %add3A_97, %max3A_91 : vector<16xi1>, vector<16xi32>
        %broadcast_in_dim3A_99 = vector.shape_cast %select_n3A_98 : vector<16xi32> to vector<16x1xi32>
        %gather3A_100 = vector.shape_cast %broadcast_in_dim3A_99 : vector<16x1xi32> to vector<16xi32>
        %gather3A_101 = tpu.dynamic_gather %select_n3A_86[%gather3A_100] in [0] : vector<16xi32>, vector<16xi32> -> vector<16xi32>
        %ge3A = arith.constant 1 : i32
        %ge3A_102 = vector.broadcast %ge3A : i32 to vector<16xi32>
        %ge3A_103 = arith.cmpi sge, %iota3A, %ge3A_102 : vector<16xi32>
        %select_n3A_104 = arith.select %ge3A_103, %gather3A_101, %broadcast_in_dim3A_5 : vector<16xi1>, vector<16xi32>
        %add3A_105 = arith.addi %select_n3A_86, %select_n3A_104 : vector<16xi32>
        %sub3A_106 = arith.constant 2 : i32
        %sub3A_107 = vector.broadcast %sub3A_106 : i32 to vector<16xi32>
        %sub3A_108 = arith.subi %iota3A, %sub3A_107 : vector<16xi32>
        %max3A_109 = arith.constant 0 : i32
        %max3A_110 = vector.broadcast %max3A_109 : i32 to vector<16xi32>
        %max3A_111 = arith.maxsi %sub3A_108, %max3A_110 : vector<16xi32>
        %lt3A_112 = arith.constant 0 : i32
        %lt3A_113 = vector.broadcast %lt3A_112 : i32 to vector<16xi32>
        %lt3A_114 = arith.cmpi slt, %max3A_111, %lt3A_113 : vector<16xi32>
        %add3A_115 = arith.constant 16 : i32
        %add3A_116 = vector.broadcast %add3A_115 : i32 to vector<16xi32>
        %add3A_117 = arith.addi %max3A_111, %add3A_116 : vector<16xi32>
        %select_n3A_118 = arith.select %lt3A_114, %add3A_117, %max3A_111 : vector<16xi1>, vector<16xi32>
        %broadcast_in_dim3A_119 = vector.shape_cast %select_n3A_118 : vector<16xi32> to vector<16x1xi32>
        %gather3A_120 = vector.shape_cast %broadcast_in_dim3A_119 : vector<16x1xi32> to vector<16xi32>
        %gather3A_121 = tpu.dynamic_gather %add3A_105[%gather3A_120] in [0] : vector<16xi32>, vector<16xi32> -> vector<16xi32>
        %ge3A_122 = arith.constant 2 : i32
        %ge3A_123 = vector.broadcast %ge3A_122 : i32 to vector<16xi32>
        %ge3A_124 = arith.cmpi sge, %iota3A, %ge3A_123 : vector<16xi32>
        %select_n3A_125 = arith.select %ge3A_124, %gather3A_121, %broadcast_in_dim3A_5 : vector<16xi1>, vector<16xi32>
        %add3A_126 = arith.addi %add3A_105, %select_n3A_125 : vector<16xi32>
        %sub3A_127 = arith.constant 4 : i32
        %sub3A_128 = vector.broadcast %sub3A_127 : i32 to vector<16xi32>
        %sub3A_129 = arith.subi %iota3A, %sub3A_128 : vector<16xi32>
        %max3A_130 = arith.constant 0 : i32
        %max3A_131 = vector.broadcast %max3A_130 : i32 to vector<16xi32>
        %max3A_132 = arith.maxsi %sub3A_129, %max3A_131 : vector<16xi32>
        %lt3A_133 = arith.constant 0 : i32
        %lt3A_134 = vector.broadcast %lt3A_133 : i32 to vector<16xi32>
        %lt3A_135 = arith.cmpi slt, %max3A_132, %lt3A_134 : vector<16xi32>
        %add3A_136 = arith.constant 16 : i32
        %add3A_137 = vector.broadcast %add3A_136 : i32 to vector<16xi32>
        %add3A_138 = arith.addi %max3A_132, %add3A_137 : vector<16xi32>
        %select_n3A_139 = arith.select %lt3A_135, %add3A_138, %max3A_132 : vector<16xi1>, vector<16xi32>
        %broadcast_in_dim3A_140 = vector.shape_cast %select_n3A_139 : vector<16xi32> to vector<16x1xi32>
        %gather3A_141 = vector.shape_cast %broadcast_in_dim3A_140 : vector<16x1xi32> to vector<16xi32>
        %gather3A_142 = tpu.dynamic_gather %add3A_126[%gather3A_141] in [0] : vector<16xi32>, vector<16xi32> -> vector<16xi32>
        %ge3A_143 = arith.constant 4 : i32
        %ge3A_144 = vector.broadcast %ge3A_143 : i32 to vector<16xi32>
        %ge3A_145 = arith.cmpi sge, %iota3A, %ge3A_144 : vector<16xi32>
        %select_n3A_146 = arith.select %ge3A_145, %gather3A_142, %broadcast_in_dim3A_5 : vector<16xi1>, vector<16xi32>
        %add3A_147 = arith.addi %add3A_126, %select_n3A_146 : vector<16xi32>
        %sub3A_148 = arith.constant 8 : i32
        %sub3A_149 = vector.broadcast %sub3A_148 : i32 to vector<16xi32>
        %sub3A_150 = arith.subi %iota3A, %sub3A_149 : vector<16xi32>
        %max3A_151 = arith.constant 0 : i32
        %max3A_152 = vector.broadcast %max3A_151 : i32 to vector<16xi32>
        %max3A_153 = arith.maxsi %sub3A_150, %max3A_152 : vector<16xi32>
        %lt3A_154 = arith.constant 0 : i32
        %lt3A_155 = vector.broadcast %lt3A_154 : i32 to vector<16xi32>
        %lt3A_156 = arith.cmpi slt, %max3A_153, %lt3A_155 : vector<16xi32>
        %add3A_157 = arith.constant 16 : i32
        %add3A_158 = vector.broadcast %add3A_157 : i32 to vector<16xi32>
        %add3A_159 = arith.addi %max3A_153, %add3A_158 : vector<16xi32>
        %select_n3A_160 = arith.select %lt3A_156, %add3A_159, %max3A_153 : vector<16xi1>, vector<16xi32>
        %broadcast_in_dim3A_161 = vector.shape_cast %select_n3A_160 : vector<16xi32> to vector<16x1xi32>
        %gather3A_162 = vector.shape_cast %broadcast_in_dim3A_161 : vector<16x1xi32> to vector<16xi32>
        %gather3A_163 = tpu.dynamic_gather %add3A_147[%gather3A_162] in [0] : vector<16xi32>, vector<16xi32> -> vector<16xi32>
        %ge3A_164 = arith.constant 8 : i32
        %ge3A_165 = vector.broadcast %ge3A_164 : i32 to vector<16xi32>
        %ge3A_166 = arith.cmpi sge, %iota3A, %ge3A_165 : vector<16xi32>
        %select_n3A_167 = arith.select %ge3A_166, %gather3A_163, %broadcast_in_dim3A_5 : vector<16xi1>, vector<16xi32>
        %add3A_168 = arith.addi %add3A_147, %select_n3A_167 : vector<16xi32>
        %add3A_169 = arith.addi %scan3A_80, %add3A_168 : vector<16xi32>
        %le3A = arith.cmpi sle, %add3A_169, %sub3A_71 : vector<16xi32>
        %and3A = arith.andi %eq3A, %le3A : vector<16xi1>
        %or3A = arith.ori %lt3A_85, %and3A : vector<16xi1>
        %broadcast_in_dim3A_170 = arith.constant 1.000000e+00 : f32
        %broadcast_in_dim3A_171 = vector.broadcast %broadcast_in_dim3A_170 : f32 to vector<16xf32>
        %broadcast_in_dim3A_172 = arith.constant 0.000000e+00 : f32
        %broadcast_in_dim3A_173 = vector.broadcast %broadcast_in_dim3A_172 : f32 to vector<16xf32>
        %select_n3A_174 = arith.select %or3A, %broadcast_in_dim3A_171, %broadcast_in_dim3A_173 : vector<16xi1>, vector<16xf32>
        %swap3A = arith.index_cast %mul3A_82 : i32 to index
        %swap3A_175 = tpu.vector_load %arg5[%swap3A] {strides = array<i32>} : memref<512xf32, #tpu.memory_space<vmem>>, vector<16xf32>,
        %swap3A_176 = vector.shape_cast %swap3A_175 : vector<16xf32> to vector<16xf32>
        %swap3A_177 = vector.shape_cast %select_n3A_174 : vector<16xf32> to vector<16xf32>
        tpu.vector_store %arg5[%swap3A], %swap3A_177 {strides = array<i32>} : memref<512xf32, #tpu.memory_space<vmem>>, vector<16xf32>,
        %xor3A_178 = arith.constant 1 : i32
        %xor3A_179 = vector.broadcast %xor3A_178 : i32 to vector<16xi32>
        %xor3A_180 = arith.xori %iota3A, %xor3A_179 : vector<16xi32>
        %lt3A_181 = arith.constant 0 : i32
        %lt3A_182 = vector.broadcast %lt3A_181 : i32 to vector<16xi32>
        %lt3A_183 = arith.cmpi slt, %xor3A_180, %lt3A_182 : vector<16xi32>
        %add3A_184 = arith.constant 16 : i32
        %add3A_185 = vector.broadcast %add3A_184 : i32 to vector<16xi32>
        %add3A_186 = arith.addi %xor3A_180, %add3A_185 : vector<16xi32>
        %select_n3A_187 = arith.select %lt3A_183, %add3A_186, %xor3A_180 : vector<16xi1>, vector<16xi32>
        %broadcast_in_dim3A_188 = vector.shape_cast %select_n3A_187 : vector<16xi32> to vector<16x1xi32>
        %gather3A_189 = vector.shape_cast %broadcast_in_dim3A_188 : vector<16x1xi32> to vector<16xi32>
        %gather3A_190 = tpu.dynamic_gather %select_n3A_86[%gather3A_189] in [0] : vector<16xi32>, vector<16xi32> -> vector<16xi32>
        %add3A_191 = arith.addi %select_n3A_86, %gather3A_190 : vector<16xi32>
        %xor3A_192 = arith.constant 2 : i32
        %xor3A_193 = vector.broadcast %xor3A_192 : i32 to vector<16xi32>
        %xor3A_194 = arith.xori %iota3A, %xor3A_193 : vector<16xi32>
        %lt3A_195 = arith.constant 0 : i32
        %lt3A_196 = vector.broadcast %lt3A_195 : i32 to vector<16xi32>
        %lt3A_197 = arith.cmpi slt, %xor3A_194, %lt3A_196 : vector<16xi32>
        %add3A_198 = arith.constant 16 : i32
        %add3A_199 = vector.broadcast %add3A_198 : i32 to vector<16xi32>
        %add3A_200 = arith.addi %xor3A_194, %add3A_199 : vector<16xi32>
        %select_n3A_201 = arith.select %lt3A_197, %add3A_200, %xor3A_194 : vector<16xi1>, vector<16xi32>
        %broadcast_in_dim3A_202 = vector.shape_cast %select_n3A_201 : vector<16xi32> to vector<16x1xi32>
        %gather3A_203 = vector.shape_cast %broadcast_in_dim3A_202 : vector<16x1xi32> to vector<16xi32>
        %gather3A_204 = tpu.dynamic_gather %add3A_191[%gather3A_203] in [0] : vector<16xi32>, vector<16xi32> -> vector<16xi32>
        %add3A_205 = arith.addi %add3A_191, %gather3A_204 : vector<16xi32>
        %xor3A_206 = arith.constant 4 : i32
        %xor3A_207 = vector.broadcast %xor3A_206 : i32 to vector<16xi32>
        %xor3A_208 = arith.xori %iota3A, %xor3A_207 : vector<16xi32>
        %lt3A_209 = arith.constant 0 : i32
        %lt3A_210 = vector.broadcast %lt3A_209 : i32 to vector<16xi32>
        %lt3A_211 = arith.cmpi slt, %xor3A_208, %lt3A_210 : vector<16xi32>
        %add3A_212 = arith.constant 16 : i32
        %add3A_213 = vector.broadcast %add3A_212 : i32 to vector<16xi32>
        %add3A_214 = arith.addi %xor3A_208, %add3A_213 : vector<16xi32>
        %select_n3A_215 = arith.select %lt3A_211, %add3A_214, %xor3A_208 : vector<16xi1>, vector<16xi32>
        %broadcast_in_dim3A_216 = vector.shape_cast %select_n3A_215 : vector<16xi32> to vector<16x1xi32>
        %gather3A_217 = vector.shape_cast %broadcast_in_dim3A_216 : vector<16x1xi32> to vector<16xi32>
        %gather3A_218 = tpu.dynamic_gather %add3A_205[%gather3A_217] in [0] : vector<16xi32>, vector<16xi32> -> vector<16xi32>
        %add3A_219 = arith.addi %add3A_205, %gather3A_218 : vector<16xi32>
        %xor3A_220 = arith.constant 8 : i32
        %xor3A_221 = vector.broadcast %xor3A_220 : i32 to vector<16xi32>
        %xor3A_222 = arith.xori %iota3A, %xor3A_221 : vector<16xi32>
        %lt3A_223 = arith.constant 0 : i32
        %lt3A_224 = vector.broadcast %lt3A_223 : i32 to vector<16xi32>
        %lt3A_225 = arith.cmpi slt, %xor3A_222, %lt3A_224 : vector<16xi32>
        %add3A_226 = arith.constant 16 : i32
        %add3A_227 = vector.broadcast %add3A_226 : i32 to vector<16xi32>
        %add3A_228 = arith.addi %xor3A_222, %add3A_227 : vector<16xi32>
        %select_n3A_229 = arith.select %lt3A_225, %add3A_228, %xor3A_222 : vector<16xi1>, vector<16xi32>
        %broadcast_in_dim3A_230 = vector.shape_cast %select_n3A_229 : vector<16xi32> to vector<16x1xi32>
        %gather3A_231 = vector.shape_cast %broadcast_in_dim3A_230 : vector<16x1xi32> to vector<16xi32>
        %gather3A_232 = tpu.dynamic_gather %add3A_219[%gather3A_231] in [0] : vector<16xi32>, vector<16xi32> -> vector<16xi32>
        %add3A_233 = arith.addi %add3A_219, %gather3A_232 : vector<16xi32>
        %add3A_234 = arith.addi %scan3A_80, %add3A_233 : vector<16xi32>
        scf.yield %add3A_234 : vector<16xi32>
      }
      %scan3A_77 = arith.constant 32 : i32
      %run_scoped3A_78 = arith.constant 0 : i32
      "tpu.region"() ({
        %run_scoped3A_79 = tpu.sem_alloc : memref<!tpu.dma_semaphore, #tpu.memory_space<semaphore_mem>>
        %dma_start3A = arith.constant 0 : i32
        %dma_start3A_80 = tpu.memref_slice %arg3[%add3A, %run_scoped3A_78, %dma_start3A] : memref<16x1x512xf32, #tpu.memory_space<hbm>> -> memref<1x1x512xf32, #tpu.memory_space<hbm>>
        %dma_start3A_81 = tpu.memref_squeeze %dma_start3A_80 : memref<1x1x512xf32, #tpu.memory_space<hbm>> -> memref<512xf32, #tpu.memory_space<hbm>>
        %dma_start3A_82 = arith.constant 0 : i32
        %dma_start3A_83 = tpu.memref_slice %arg3[%add3A, %run_scoped3A_78, %dma_start3A_82] : memref<16x1x512xf32, #tpu.memory_space<hbm>> -> memref<1x1x512xf32, #tpu.memory_space<hbm>>
        %dma_start3A_84 = tpu.memref_squeeze %dma_start3A_83 : memref<1x1x512xf32, #tpu.memory_space<hbm>> -> memref<512xf32, #tpu.memory_space<hbm>>
        tpu.enqueue_dma source(%arg5 : memref<512xf32, #tpu.memory_space<vmem>>) target(%dma_start3A_84 : memref<512xf32, #tpu.memory_space<hbm>>) target_semaphore(%run_scoped3A_79 : memref<!tpu.dma_semaphore, #tpu.memory_space<semaphore_mem>>)
        %dma_wait3A = arith.constant 0 : i32
        %dma_wait3A_85 = tpu.memref_slice %arg3[%add3A, %run_scoped3A_78, %dma_wait3A] : memref<16x1x512xf32, #tpu.memory_space<hbm>> -> memref<1x1x512xf32, #tpu.memory_space<hbm>>
        %dma_wait3A_86 = tpu.memref_squeeze %dma_wait3A_85 : memref<1x1x512xf32, #tpu.memory_space<hbm>> -> memref<512xf32, #tpu.memory_space<hbm>>
        %dma_wait3A_87 = arith.constant 0 : i32
        %dma_wait3A_88 = tpu.memref_slice %arg3[%add3A, %run_scoped3A_78, %dma_wait3A_87] : memref<16x1x512xf32, #tpu.memory_space<hbm>> -> memref<1x1x512xf32, #tpu.memory_space<hbm>>
        %dma_wait3A_89 = tpu.memref_squeeze %dma_wait3A_88 : memref<1x1x512xf32, #tpu.memory_space<hbm>> -> memref<512xf32, #tpu.memory_space<hbm>>
        tpu.wait_dma2 semaphore(%run_scoped3A_79 : memref<!tpu.dma_semaphore, #tpu.memory_space<semaphore_mem>>) src(%arg5 : memref<512xf32, #tpu.memory_space<vmem>>) dst(%dma_wait3A_89 : memref<512xf32, #tpu.memory_space<hbm>>)
        tpu.yield
      }) : () -> ()
    } else {
    }
    return
  }
}

module attributes {stable_mosaic.version = 14 : i64} {
  func.func @_energy_kernel(%arg0: i32, %arg1: i32, %arg2: memref<1x2x512x512xf32, #tpu.memory_space<vmem>>, %arg3: memref<1x2x512x512xf32, #tpu.memory_space<vmem>>, %arg4: memref<1x1x512xf32, #tpu.memory_space<vmem>>) attributes {dimension_semantics = [#tpu.dimension_semantics<parallel>, #tpu.dimension_semantics<parallel>], iteration_bounds = array<i64: 8, 2>, scalar_prefetch = 0 : i64, scratch_operands = 0 : i64, tpu.core_type = #tpu.core_type<tc>, window_params = [{transform_indices = @transform_0, window_bounds = array<i64: 1, 2, 512, 512>}, {transform_indices = @transform_1, window_bounds = array<i64: 1, 2, 512, 512>}, {transform_indices = @transform_2, window_bounds = array<i64: 1, 1, 512>}]} {
    %get3A = arith.constant 0 : index
    %get3A_0 = arith.constant 0 : index
    %get3A_1 = arith.constant 0 : index
    %get3A_2 = arith.constant 0 : index
    %get3A_3 = vector.load %arg2[%get3A, %get3A_0, %get3A_1, %get3A_2] : memref<1x2x512x512xf32, #tpu.memory_space<vmem>>, vector<1x1x512x512xf32>
    %get3A_4 = vector.shape_cast %get3A_3 : vector<1x1x512x512xf32> to vector<512x512xf32>
    %get3A_5 = arith.constant 0 : index
    %get3A_6 = arith.constant 0 : index
    %get3A_7 = arith.constant 0 : index
    %get3A_8 = arith.constant 0 : index
    %get3A_9 = vector.load %arg3[%get3A_5, %get3A_6, %get3A_7, %get3A_8] : memref<1x2x512x512xf32, #tpu.memory_space<vmem>>, vector<1x1x512x512xf32>
    %get3A_10 = vector.shape_cast %get3A_9 : vector<1x1x512x512xf32> to vector<512x512xf32>
    %get3A_11 = arith.constant 0 : index
    %get3A_12 = arith.constant 1 : index
    %get3A_13 = arith.constant 0 : index
    %get3A_14 = arith.constant 0 : index
    %get3A_15 = vector.load %arg2[%get3A_11, %get3A_12, %get3A_13, %get3A_14] : memref<1x2x512x512xf32, #tpu.memory_space<vmem>>, vector<1x1x512x512xf32>
    %get3A_16 = vector.shape_cast %get3A_15 : vector<1x1x512x512xf32> to vector<512x512xf32>
    %get3A_17 = arith.constant 0 : index
    %get3A_18 = arith.constant 1 : index
    %get3A_19 = arith.constant 0 : index
    %get3A_20 = arith.constant 0 : index
    %get3A_21 = vector.load %arg3[%get3A_17, %get3A_18, %get3A_19, %get3A_20] : memref<1x2x512x512xf32, #tpu.memory_space<vmem>>, vector<1x1x512x512xf32>
    %get3A_22 = vector.shape_cast %get3A_21 : vector<1x1x512x512xf32> to vector<512x512xf32>
    %abs3A = math.absf %get3A_4 : vector<512x512xf32>
    %abs3A_23 = math.absf %get3A_22 : vector<512x512xf32>
    %sub3A = arith.subf %abs3A, %abs3A_23 : vector<512x512xf32>
    %abs3A_24 = math.absf %sub3A : vector<512x512xf32>
    %abs3A_25 = math.absf %get3A_16 : vector<512x512xf32>
    %abs3A_26 = math.absf %get3A_10 : vector<512x512xf32>
    %sub3A_27 = arith.subf %abs3A_25, %abs3A_26 : vector<512x512xf32>
    %abs3A_28 = math.absf %sub3A_27 : vector<512x512xf32>
    %add3A = arith.addf %abs3A_24, %abs3A_28 : vector<512x512xf32>
    %reduce_sum3A = arith.constant dense<0.000000e+00> : vector<512xf32>
    %reduce_sum3A_29 = vector.multi_reduction <add>, %add3A, %reduce_sum3A [0] : vector<512x512xf32> to vector<512xf32>
    %swap3A = arith.constant 0 : index
    %swap3A_30 = arith.constant 0 : index
    %swap3A_31 = arith.constant 0 : index
    %swap3A_32 = vector.load %arg4[%swap3A, %swap3A_30, %swap3A_31] : memref<1x1x512xf32, #tpu.memory_space<vmem>>, vector<1x1x512xf32>
    %swap3A_33 = vector.shape_cast %swap3A_32 : vector<1x1x512xf32> to vector<512xf32>
    %swap3A_34 = vector.shape_cast %reduce_sum3A_29 : vector<512xf32> to vector<1x1x512xf32>
    tpu.vector_store %arg4[%swap3A, %swap3A_30, %swap3A_31], %swap3A_34 {strides = array<i32>} : memref<1x1x512xf32, #tpu.memory_space<vmem>>, vector<1x1x512xf32>,
    return
  }
  func.func @transform_0(%arg0: i32, %arg1: i32) -> (i32, i32, i32, i32) {
    %c0_i32 = arith.constant 0 : i32
    %c0_i32_0 = arith.constant 0 : i32
    %c0_i32_1 = arith.constant 0 : i32
    return %arg0, %arg1, %c0_i32, %c0_i32_0 : i32, i32, i32, i32
  }
  func.func @transform_1(%arg0: i32, %arg1: i32) -> (i32, i32, i32, i32) {
    %c0_i32 = arith.constant 0 : i32
    %c0_i32_0 = arith.constant 0 : i32
    %c0_i32_1 = arith.constant 0 : i32
    return %arg0, %arg1, %c0_i32, %c0_i32_0 : i32, i32, i32, i32
  }
  func.func @transform_2(%arg0: i32, %arg1: i32) -> (i32, i32, i32) {
    %mul3A = arith.constant 2 : i32
    %mul3A_0 = arith.muli %mul3A, %arg0 : i32
    %add3A = arith.addi %mul3A_0, %arg1 : i32
    %c0_i32 = arith.constant 0 : i32
    %c0_i32_1 = arith.constant 0 : i32
    %c0_i32_2 = arith.constant 0 : i32
    return %add3A, %c0_i32, %c0_i32_1 : i32, i32, i32
  }
}

module attributes {stable_mosaic.version = 14 : i64} {
  func.func @_transform_kernel(%arg0: i32, %arg1: i32, %arg2: memref<1x2x512x512xf32, #tpu.memory_space<vmem>>, %arg3: memref<1x2x512x512xf32, #tpu.memory_space<vmem>>, %arg4: memref<1x1x512xf32, #tpu.memory_space<vmem>>, %arg5: memref<512x512xbf16, #tpu.memory_space<vmem>>, %arg6: memref<512x512xbf16, #tpu.memory_space<vmem>>, %arg7: memref<512x512xbf16, #tpu.memory_space<vmem>>, %arg8: memref<512x512xbf16, #tpu.memory_space<vmem>>, %arg9: memref<1x2x512x512xf32, #tpu.memory_space<vmem>>, %arg10: memref<1x2x512x512xf32, #tpu.memory_space<vmem>>) attributes {dimension_semantics = [#tpu.dimension_semantics<parallel>, #tpu.dimension_semantics<parallel>], iteration_bounds = array<i64: 8, 2>, scalar_prefetch = 0 : i64, scratch_operands = 0 : i64, tpu.core_type = #tpu.core_type<tc>, window_params = [{transform_indices = @transform_0, window_bounds = array<i64: 1, 2, 512, 512>}, {transform_indices = @transform_1, window_bounds = array<i64: 1, 2, 512, 512>}, {transform_indices = @transform_2, window_bounds = array<i64: 1, 1, 512>}, {pipeline_mode = #tpu.pipeline_mode<synchronous>, transform_indices = @transform_3, window_bounds = array<i64: 512, 512>}, {pipeline_mode = #tpu.pipeline_mode<synchronous>, transform_indices = @transform_4, window_bounds = array<i64: 512, 512>}, {pipeline_mode = #tpu.pipeline_mode<synchronous>, transform_indices = @transform_5, window_bounds = array<i64: 512, 512>}, {pipeline_mode = #tpu.pipeline_mode<synchronous>, transform_indices = @transform_6, window_bounds = array<i64: 512, 512>}, {transform_indices = @transform_7, window_bounds = array<i64: 1, 2, 512, 512>}, {transform_indices = @transform_8, window_bounds = array<i64: 1, 2, 512, 512>}]} {
    %get3A = arith.constant 0 : index
    %get3A_0 = arith.constant 0 : index
    %get3A_1 = arith.constant 0 : index
    %get3A_2 = vector.load %arg4[%get3A, %get3A_0, %get3A_1] : memref<1x1x512xf32, #tpu.memory_space<vmem>>, vector<1x1x512xf32>
    %get3A_3 = vector.shape_cast %get3A_2 : vector<1x1x512xf32> to vector<1x512xf32>
    %get3A_4 = arith.constant 0 : index
    %get3A_5 = arith.constant 0 : index
    %get3A_6 = vector.load %arg5[%get3A_4, %get3A_5] : memref<512x512xbf16, #tpu.memory_space<vmem>>, vector<512x512xbf16>
    %get3A_7 = arith.constant 0 : index
    %get3A_8 = arith.constant 0 : index
    %get3A_9 = vector.load %arg6[%get3A_7, %get3A_8] : memref<512x512xbf16, #tpu.memory_space<vmem>>, vector<512x512xbf16>
    %get3A_10 = arith.constant 0 : index
    %get3A_11 = arith.constant 0 : index
    %get3A_12 = vector.load %arg7[%get3A_10, %get3A_11] : memref<512x512xbf16, #tpu.memory_space<vmem>>, vector<512x512xbf16>
    %get3A_13 = arith.constant 0 : index
    %get3A_14 = arith.constant 0 : index
    %get3A_15 = vector.load %arg8[%get3A_13, %get3A_14] : memref<512x512xbf16, #tpu.memory_space<vmem>>, vector<512x512xbf16>
    %get3A_16 = arith.constant 0 : index
    %get3A_17 = arith.constant 0 : index
    %get3A_18 = arith.constant 0 : index
    %get3A_19 = arith.constant 0 : index
    %get3A_20 = vector.load %arg2[%get3A_16, %get3A_17, %get3A_18, %get3A_19] : memref<1x2x512x512xf32, #tpu.memory_space<vmem>>, vector<1x1x512x512xf32>
    %get3A_21 = vector.shape_cast %get3A_20 : vector<1x1x512x512xf32> to vector<512x512xf32>
    %mul3A = arith.constant 0.001953125 : f32
    %mul3A_22 = vector.broadcast %mul3A : f32 to vector<512x512xf32>
    %mul3A_23 = arith.mulf %get3A_21, %mul3A_22 : vector<512x512xf32>
    %get3A_24 = arith.constant 0 : index
    %get3A_25 = arith.constant 0 : index
    %get3A_26 = arith.constant 0 : index
    %get3A_27 = arith.constant 0 : index
    %get3A_28 = vector.load %arg3[%get3A_24, %get3A_25, %get3A_26, %get3A_27] : memref<1x2x512x512xf32, #tpu.memory_space<vmem>>, vector<1x1x512x512xf32>
    %get3A_29 = vector.shape_cast %get3A_28 : vector<1x1x512x512xf32> to vector<512x512xf32>
    %mul3A_30 = arith.constant 0.001953125 : f32
    %mul3A_31 = vector.broadcast %mul3A_30 : f32 to vector<512x512xf32>
    %mul3A_32 = arith.mulf %get3A_29, %mul3A_31 : vector<512x512xf32>
    %convert_element_type3A = arith.truncf %mul3A_23 : vector<512x512xf32> to vector<512x512xbf16>
    %convert_element_type3A_33 = arith.truncf %mul3A_32 : vector<512x512xf32> to vector<512x512xbf16>
    %add3A = arith.addf %mul3A_23, %mul3A_32 : vector<512x512xf32>
    %convert_element_type3A_34 = arith.truncf %add3A : vector<512x512xf32> to vector<512x512xbf16>
    %dot_general3A = arith.constant dense<0.000000e+00> : vector<512x512xf32>
    %dot_general3A_35 = tpu.matmul %get3A_6, %convert_element_type3A, %dot_general3A {dimension_numbers = #tpu.dot_dimension_numbers<[1], [0], [0], [1], [0, 0, 1, 1], [], []>, transpose_lhs_hint = false} : vector<512x512xbf16>, vector<512x512xbf16>, vector<512x512xf32> -> vector<512x512xf32>
    %dot_general3A_36 = arith.constant dense<0.000000e+00> : vector<512x512xf32>
    %dot_general3A_37 = tpu.matmul %get3A_9, %convert_element_type3A_33, %dot_general3A_36 {dimension_numbers = #tpu.dot_dimension_numbers<[1], [0], [0], [1], [0, 0, 1, 1], [], []>, transpose_lhs_hint = false} : vector<512x512xbf16>, vector<512x512xbf16>, vector<512x512xf32> -> vector<512x512xf32>
    %dot_general3A_38 = arith.constant dense<0.000000e+00> : vector<512x512xf32>
    %dot_general3A_39 = tpu.matmul %get3A_12, %convert_element_type3A_34, %dot_general3A_38 {dimension_numbers = #tpu.dot_dimension_numbers<[1], [0], [0], [1], [0, 0, 1, 1], [], []>, transpose_lhs_hint = false} : vector<512x512xbf16>, vector<512x512xbf16>, vector<512x512xf32> -> vector<512x512xf32>
    %sub3A = arith.subf %dot_general3A_35, %dot_general3A_37 : vector<512x512xf32>
    %mul3A_40 = vector.broadcast %get3A_3 : vector<1x512xf32> to vector<512x512xf32>
    %mul3A_41 = arith.mulf %sub3A, %mul3A_40 : vector<512x512xf32>
    %sub3A_42 = arith.subf %dot_general3A_39, %dot_general3A_35 : vector<512x512xf32>
    %sub3A_43 = arith.subf %sub3A_42, %dot_general3A_37 : vector<512x512xf32>
    %mul3A_44 = vector.broadcast %get3A_3 : vector<1x512xf32> to vector<512x512xf32>
    %mul3A_45 = arith.mulf %sub3A_43, %mul3A_44 : vector<512x512xf32>
    %convert_element_type3A_46 = arith.truncf %mul3A_41 : vector<512x512xf32> to vector<512x512xbf16>
    %dot_general3A_47 = arith.constant dense<0.000000e+00> : vector<512x512xf32>
    %dot_general3A_48 = tpu.matmul %convert_element_type3A_46, %get3A_6, %dot_general3A_47 {dimension_numbers = #tpu.dot_dimension_numbers<[1], [0], [0], [1], [0, 0, 1, 1], [], []>, transpose_lhs_hint = false} : vector<512x512xbf16>, vector<512x512xbf16>, vector<512x512xf32> -> vector<512x512xf32>
    %convert_element_type3A_49 = arith.truncf %mul3A_45 : vector<512x512xf32> to vector<512x512xbf16>
    %dot_general3A_50 = arith.constant dense<0.000000e+00> : vector<512x512xf32>
    %dot_general3A_51 = tpu.matmul %convert_element_type3A_49, %get3A_9, %dot_general3A_50 {dimension_numbers = #tpu.dot_dimension_numbers<[1], [0], [0], [1], [0, 0, 1, 1], [], []>, transpose_lhs_hint = false} : vector<512x512xbf16>, vector<512x512xbf16>, vector<512x512xf32> -> vector<512x512xf32>
    %add3A_52 = arith.addf %mul3A_41, %mul3A_45 : vector<512x512xf32>
    %convert_element_type3A_53 = arith.truncf %add3A_52 : vector<512x512xf32> to vector<512x512xbf16>
    %dot_general3A_54 = arith.constant dense<0.000000e+00> : vector<512x512xf32>
    %dot_general3A_55 = tpu.matmul %convert_element_type3A_53, %get3A_15, %dot_general3A_54 {dimension_numbers = #tpu.dot_dimension_numbers<[1], [0], [0], [1], [0, 0, 1, 1], [], []>, transpose_lhs_hint = false} : vector<512x512xbf16>, vector<512x512xbf16>, vector<512x512xf32> -> vector<512x512xf32>
    %add3A_56 = arith.addf %dot_general3A_48, %dot_general3A_51 : vector<512x512xf32>
    %add3A_57 = arith.constant 5.000000e-01 : f32
    %add3A_58 = vector.broadcast %add3A_57 : f32 to vector<512x512xf32>
    %add3A_59 = arith.addf %add3A_56, %add3A_58 : vector<512x512xf32>
    %swap3A = arith.constant 0 : index
    %swap3A_60 = arith.constant 0 : index
    %swap3A_61 = arith.constant 0 : index
    %swap3A_62 = arith.constant 0 : index
    %swap3A_63 = vector.load %arg9[%swap3A, %swap3A_60, %swap3A_61, %swap3A_62] : memref<1x2x512x512xf32, #tpu.memory_space<vmem>>, vector<1x1x512x512xf32>
    %swap3A_64 = vector.shape_cast %swap3A_63 : vector<1x1x512x512xf32> to vector<512x512xf32>
    %swap3A_65 = vector.shape_cast %add3A_59 : vector<512x512xf32> to vector<1x1x512x512xf32>
    tpu.vector_store %arg9[%swap3A, %swap3A_60, %swap3A_61, %swap3A_62], %swap3A_65 {strides = array<i32>} : memref<1x2x512x512xf32, #tpu.memory_space<vmem>>, vector<1x1x512x512xf32>,
    %sub3A_66 = arith.subf %dot_general3A_55, %dot_general3A_48 : vector<512x512xf32>
    %add3A_67 = arith.addf %sub3A_66, %dot_general3A_51 : vector<512x512xf32>
    %swap3A_68 = arith.constant 0 : index
    %swap3A_69 = arith.constant 0 : index
    %swap3A_70 = arith.constant 0 : index
    %swap3A_71 = arith.constant 0 : index
    %swap3A_72 = vector.load %arg10[%swap3A_68, %swap3A_69, %swap3A_70, %swap3A_71] : memref<1x2x512x512xf32, #tpu.memory_space<vmem>>, vector<1x1x512x512xf32>
    %swap3A_73 = vector.shape_cast %swap3A_72 : vector<1x1x512x512xf32> to vector<512x512xf32>
    %swap3A_74 = vector.shape_cast %add3A_67 : vector<512x512xf32> to vector<1x1x512x512xf32>
    tpu.vector_store %arg10[%swap3A_68, %swap3A_69, %swap3A_70, %swap3A_71], %swap3A_74 {strides = array<i32>} : memref<1x2x512x512xf32, #tpu.memory_space<vmem>>, vector<1x1x512x512xf32>,
    %get3A_75 = arith.constant 0 : index
    %get3A_76 = arith.constant 1 : index
    %get3A_77 = arith.constant 0 : index
    %get3A_78 = arith.constant 0 : index
    %get3A_79 = vector.load %arg2[%get3A_75, %get3A_76, %get3A_77, %get3A_78] : memref<1x2x512x512xf32, #tpu.memory_space<vmem>>, vector<1x1x512x512xf32>
    %get3A_80 = vector.shape_cast %get3A_79 : vector<1x1x512x512xf32> to vector<512x512xf32>
    %mul3A_81 = arith.constant 0.001953125 : f32
    %mul3A_82 = vector.broadcast %mul3A_81 : f32 to vector<512x512xf32>
    %mul3A_83 = arith.mulf %get3A_80, %mul3A_82 : vector<512x512xf32>
    %get3A_84 = arith.constant 0 : index
    %get3A_85 = arith.constant 1 : index
    %get3A_86 = arith.constant 0 : index
    %get3A_87 = arith.constant 0 : index
    %get3A_88 = vector.load %arg3[%get3A_84, %get3A_85, %get3A_86, %get3A_87] : memref<1x2x512x512xf32, #tpu.memory_space<vmem>>, vector<1x1x512x512xf32>
    %get3A_89 = vector.shape_cast %get3A_88 : vector<1x1x512x512xf32> to vector<512x512xf32>
    %mul3A_90 = arith.constant 0.001953125 : f32
    %mul3A_91 = vector.broadcast %mul3A_90 : f32 to vector<512x512xf32>
    %mul3A_92 = arith.mulf %get3A_89, %mul3A_91 : vector<512x512xf32>
    %convert_element_type3A_93 = arith.truncf %mul3A_83 : vector<512x512xf32> to vector<512x512xbf16>
    %convert_element_type3A_94 = arith.truncf %mul3A_92 : vector<512x512xf32> to vector<512x512xbf16>
    %add3A_95 = arith.addf %mul3A_83, %mul3A_92 : vector<512x512xf32>
    %convert_element_type3A_96 = arith.truncf %add3A_95 : vector<512x512xf32> to vector<512x512xbf16>
    %dot_general3A_97 = arith.constant dense<0.000000e+00> : vector<512x512xf32>
    %dot_general3A_98 = tpu.matmul %get3A_6, %convert_element_type3A_93, %dot_general3A_97 {dimension_numbers = #tpu.dot_dimension_numbers<[1], [0], [0], [1], [0, 0, 1, 1], [], []>, transpose_lhs_hint = false} : vector<512x512xbf16>, vector<512x512xbf16>, vector<512x512xf32> -> vector<512x512xf32>
    %dot_general3A_99 = arith.constant dense<0.000000e+00> : vector<512x512xf32>
    %dot_general3A_100 = tpu.matmul %get3A_9, %convert_element_type3A_94, %dot_general3A_99 {dimension_numbers = #tpu.dot_dimension_numbers<[1], [0], [0], [1], [0, 0, 1, 1], [], []>, transpose_lhs_hint = false} : vector<512x512xbf16>, vector<512x512xbf16>, vector<512x512xf32> -> vector<512x512xf32>
    %dot_general3A_101 = arith.constant dense<0.000000e+00> : vector<512x512xf32>
    %dot_general3A_102 = tpu.matmul %get3A_12, %convert_element_type3A_96, %dot_general3A_101 {dimension_numbers = #tpu.dot_dimension_numbers<[1], [0], [0], [1], [0, 0, 1, 1], [], []>, transpose_lhs_hint = false} : vector<512x512xbf16>, vector<512x512xbf16>, vector<512x512xf32> -> vector<512x512xf32>
    %sub3A_103 = arith.subf %dot_general3A_98, %dot_general3A_100 : vector<512x512xf32>
    %mul3A_104 = vector.broadcast %get3A_3 : vector<1x512xf32> to vector<512x512xf32>
    %mul3A_105 = arith.mulf %sub3A_103, %mul3A_104 : vector<512x512xf32>
    %sub3A_106 = arith.subf %dot_general3A_102, %dot_general3A_98 : vector<512x512xf32>
    %sub3A_107 = arith.subf %sub3A_106, %dot_general3A_100 : vector<512x512xf32>
    %mul3A_108 = vector.broadcast %get3A_3 : vector<1x512xf32> to vector<512x512xf32>
    %mul3A_109 = arith.mulf %sub3A_107, %mul3A_108 : vector<512x512xf32>
    %convert_element_type3A_110 = arith.truncf %mul3A_105 : vector<512x512xf32> to vector<512x512xbf16>
    %dot_general3A_111 = arith.constant dense<0.000000e+00> : vector<512x512xf32>
    %dot_general3A_112 = tpu.matmul %convert_element_type3A_110, %get3A_6, %dot_general3A_111 {dimension_numbers = #tpu.dot_dimension_numbers<[1], [0], [0], [1], [0, 0, 1, 1], [], []>, transpose_lhs_hint = false} : vector<512x512xbf16>, vector<512x512xbf16>, vector<512x512xf32> -> vector<512x512xf32>
    %convert_element_type3A_113 = arith.truncf %mul3A_109 : vector<512x512xf32> to vector<512x512xbf16>
    %dot_general3A_114 = arith.constant dense<0.000000e+00> : vector<512x512xf32>
    %dot_general3A_115 = tpu.matmul %convert_element_type3A_113, %get3A_9, %dot_general3A_114 {dimension_numbers = #tpu.dot_dimension_numbers<[1], [0], [0], [1], [0, 0, 1, 1], [], []>, transpose_lhs_hint = false} : vector<512x512xbf16>, vector<512x512xbf16>, vector<512x512xf32> -> vector<512x512xf32>
    %add3A_116 = arith.addf %mul3A_105, %mul3A_109 : vector<512x512xf32>
    %convert_element_type3A_117 = arith.truncf %add3A_116 : vector<512x512xf32> to vector<512x512xbf16>
    %dot_general3A_118 = arith.constant dense<0.000000e+00> : vector<512x512xf32>
    %dot_general3A_119 = tpu.matmul %convert_element_type3A_117, %get3A_15, %dot_general3A_118 {dimension_numbers = #tpu.dot_dimension_numbers<[1], [0], [0], [1], [0, 0, 1, 1], [], []>, transpose_lhs_hint = false} : vector<512x512xbf16>, vector<512x512xbf16>, vector<512x512xf32> -> vector<512x512xf32>
    %add3A_120 = arith.addf %dot_general3A_112, %dot_general3A_115 : vector<512x512xf32>
    %add3A_121 = arith.constant 5.000000e-01 : f32
    %add3A_122 = vector.broadcast %add3A_121 : f32 to vector<512x512xf32>
    %add3A_123 = arith.addf %add3A_120, %add3A_122 : vector<512x512xf32>
    %swap3A_124 = arith.constant 0 : index
    %swap3A_125 = arith.constant 1 : index
    %swap3A_126 = arith.constant 0 : index
    %swap3A_127 = arith.constant 0 : index
    %swap3A_128 = vector.load %arg9[%swap3A_124, %swap3A_125, %swap3A_126, %swap3A_127] : memref<1x2x512x512xf32, #tpu.memory_space<vmem>>, vector<1x1x512x512xf32>
    %swap3A_129 = vector.shape_cast %swap3A_128 : vector<1x1x512x512xf32> to vector<512x512xf32>
    %swap3A_130 = vector.shape_cast %add3A_123 : vector<512x512xf32> to vector<1x1x512x512xf32>
    tpu.vector_store %arg9[%swap3A_124, %swap3A_125, %swap3A_126, %swap3A_127], %swap3A_130 {strides = array<i32>} : memref<1x2x512x512xf32, #tpu.memory_space<vmem>>, vector<1x1x512x512xf32>,
    %sub3A_131 = arith.subf %dot_general3A_119, %dot_general3A_112 : vector<512x512xf32>
    %add3A_132 = arith.addf %sub3A_131, %dot_general3A_115 : vector<512x512xf32>
    %swap3A_133 = arith.constant 0 : index
    %swap3A_134 = arith.constant 1 : index
    %swap3A_135 = arith.constant 0 : index
    %swap3A_136 = arith.constant 0 : index
    %swap3A_137 = vector.load %arg10[%swap3A_133, %swap3A_134, %swap3A_135, %swap3A_136] : memref<1x2x512x512xf32, #tpu.memory_space<vmem>>, vector<1x1x512x512xf32>
    %swap3A_138 = vector.shape_cast %swap3A_137 : vector<1x1x512x512xf32> to vector<512x512xf32>
    %swap3A_139 = vector.shape_cast %add3A_132 : vector<512x512xf32> to vector<1x1x512x512xf32>
    tpu.vector_store %arg10[%swap3A_133, %swap3A_134, %swap3A_135, %swap3A_136], %swap3A_139 {strides = array<i32>} : memref<1x2x512x512xf32, #tpu.memory_space<vmem>>, vector<1x1x512x512xf32>,
    return
  }
  func.func @transform_0(%arg0: i32, %arg1: i32) -> (i32, i32, i32, i32) {
    %c0_i32 = arith.constant 0 : i32
    %c0_i32_0 = arith.constant 0 : i32
    %c0_i32_1 = arith.constant 0 : i32
    return %arg0, %arg1, %c0_i32, %c0_i32_0 : i32, i32, i32, i32
  }
  func.func @transform_1(%arg0: i32, %arg1: i32) -> (i32, i32, i32, i32) {
    %c0_i32 = arith.constant 0 : i32
    %c0_i32_0 = arith.constant 0 : i32
    %c0_i32_1 = arith.constant 0 : i32
    return %arg0, %arg1, %c0_i32, %c0_i32_0 : i32, i32, i32, i32
  }
  func.func @transform_2(%arg0: i32, %arg1: i32) -> (i32, i32, i32) {
    %mul3A = arith.constant 2 : i32
    %mul3A_0 = arith.muli %mul3A, %arg0 : i32
    %add3A = arith.addi %mul3A_0, %arg1 : i32
    %c0_i32 = arith.constant 0 : i32
    %c0_i32_1 = arith.constant 0 : i32
    %c0_i32_2 = arith.constant 0 : i32
    return %add3A, %c0_i32, %c0_i32_1 : i32, i32, i32
  }
  func.func @transform_3(%arg0: i32, %arg1: i32) -> (i32, i32) {
    %c0_i32 = arith.constant 0 : i32
    %c0_i32_0 = arith.constant 0 : i32
    %c0_i32_1 = arith.constant 0 : i32
    return %c0_i32, %c0_i32_0 : i32, i32
  }
  func.func @transform_4(%arg0: i32, %arg1: i32) -> (i32, i32) {
    %c0_i32 = arith.constant 0 : i32
    %c0_i32_0 = arith.constant 0 : i32
    %c0_i32_1 = arith.constant 0 : i32
    return %c0_i32, %c0_i32_0 : i32, i32
  }
  func.func @transform_5(%arg0: i32, %arg1: i32) -> (i32, i32) {
    %c0_i32 = arith.constant 0 : i32
    %c0_i32_0 = arith.constant 0 : i32
    %c0_i32_1 = arith.constant 0 : i32
    return %c0_i32, %c0_i32_0 : i32, i32
  }
  func.func @transform_6(%arg0: i32, %arg1: i32) -> (i32, i32) {
    %c0_i32 = arith.constant 0 : i32
    %c0_i32_0 = arith.constant 0 : i32
    %c0_i32_1 = arith.constant 0 : i32
    return %c0_i32, %c0_i32_0 : i32, i32
  }
  func.func @transform_7(%arg0: i32, %arg1: i32) -> (i32, i32, i32, i32) {
    %c0_i32 = arith.constant 0 : i32
    %c0_i32_0 = arith.constant 0 : i32
    %c0_i32_1 = arith.constant 0 : i32
    return %arg0, %arg1, %c0_i32, %c0_i32_0 : i32, i32, i32, i32
  }
  func.func @transform_8(%arg0: i32, %arg1: i32) -> (i32, i32, i32, i32) {
    %c0_i32 = arith.constant 0 : i32
    %c0_i32_0 = arith.constant 0 : i32
    %c0_i32_1 = arith.constant 0 : i32
    return %arg0, %arg1, %c0_i32, %c0_i32_0 : i32, i32, i32, i32
  }
}

</mosaic_0001>

<sc_bundles>
// kernel: kernel.5.cloned.1.call-start
scs
__scs_entry_jumppad:
0x0: {  	(pc) =	sbr.rel $0x88, $3  }
0x1: {  	(tag) =	ssettag $0x0;
	lr =	simm.s32 $0x1  }
0x2: {  	[smem:$0x3F9F] =	sst lr;
	_ =	strace $0xD0000000  }
0x3: {  	_ = 	snop  }
0x4: {  	_ = 	snop  }
0x5: {  	_ = 	snop  }
0x6: {  	_ = 	snop  }
0x7: {  	_ = 	snop  }
__scs_overlays_trampoline_lowered:
0x8: {  	[smem:$0x3FAE] =	sst s0  }
0x9: {  	[smem:$0x3FAF] =	sst s1  }
0xa: {  	[smem:$0x3FB0] =	sst s2  }
0xb: {  	[smem:$0x3FB1] =	sst s3  }
0xc: {  	[smem:$0x3FB2] =	sst s4  }
0xd: {  	[smem:$0x3FB3] =	sst s5  }
0xe: {  	[smem:$0x3FB4] =	sst s6  }
0xf: {  	[smem:$0x3FB5] =	sst s7  }
0x10: {  	[smem:$0x3FB6] =	sst s8  }
0x11: {  	[smem:$0x3FB7] =	sst s9;
	s0 =	simm.s32 @!p0 $0x0  }
0x12: {  	s1 =	sld [smem:$0x3F9D];
	s0 =	simm.s32 @p0 $0x1  }
0x13: {  	[smem:$0x3FB8] =	sst s0;
	s0 =	simm.s32 @!p1 $0x0  }
0x14: {  	s2 =	sld [smem:$0x3F9C];
	s0 =	simm.s32 @p1 $0x1  }
0x15: {  	[smem:$0x3FB9] =	sst s0;
	s0 =	simm.s32 @!p2 $0x0  }
0x16: {  	s3 =	sld [smem:$0x3FDB];
	s0 =	simm.s32 @p2 $0x1  }
0x17: {  	s4 =	simm.s32 $0x1BF5;
	[smem:$0x3FBB] =	sst s0  }
0x18: {  	s0 =	sld [smem:$0x3F9E];
	_ =	swait.ge [sflag:s4], $0x0  }
0x19: {  	s7 =	sld [smem:$0x3F9F]  }
0x1a: {  	s8 =	sadd.s32 $0xFFFFE003, lr  }
0x1b: {  	s9 =	sadd.s32 $0xFFFFFEF7, lr;
	s5 =	simm.s32 $0xFFFFFFFF;
	p2 =	slt.u32 s8, $0xFFFFF086  }
0x1c: {  	p1 =	slt.u32 s9, $0xF7A;
	s5 =	simm.s32 @!p2 $0x0  }
0x1d: {  	s5 =	simm.s32 @p1 $0x1;
	p0 =	seq.s32 s7, s2  }
0x1e: {  	s7 =	smul.u32 @!p0 $0xF7A, s2;
	p2 =	seq.s32 @!p0 s5, $0x0  }
0x1f: {  	s9 =	smul.u32 $0xF7A, s1;
	s8 =	simm.s32 @!p0 $0x1BF5;
	p2 =	por !p2, p0  }
0x20: {  	[sflag:s8] =	ssyncset.s32 @!p0 $0xFFFFF086;
	s6 =	sadd.s32 @!p0 s3, s7;
	s7 =	simm.s32 @!p0 $0x108  }
0x21: {  	s3 =	sadd.s32 s3, s9;
	s6 =	sadd.s32 @!p0 $0x88, s6;
	s7 =	simm.s32 @p2 $0x1082  }
0x22: {  	[simem:s7], [sflag:s8] =	dma.local @!p0 [hbm:s6], $0xF7A  }
0x23: {  	s9 =	sor.u32 $0xD0000000, s2;
	s6 =	simm.s32 $0x108;
	_ =	swait.ge @!p0 [sflag:s8], $0x0  }
0x24: {  	s3 =	sadd.s32 $0x88, s3;
	s6 =	simm.s32 @!p1 $0x1082;
	[sflag:s4] =	ssyncset.s32 $0xFFFFF086  }
0x25: {  	[simem:s6], [sflag:s4] =	dma.local [hbm:s3], $0xF7A  }
0x26: {  	[smem:$0x3F9F] =	sst s1;
	(tag) =	ssettag s2;
	_ =	strace s9  }
0x27: {  	s1 =	sld [smem:$0x3FAF]  }
0x28: {  	s2 =	sld [smem:$0x3FB0]  }
0x29: {  	s4 =	sld [smem:$0x3FB2]  }
0x2a: {  	p0 =	seq.s32 s5, $0x0;
	s5 =	sld [smem:$0x3FB3]  }
0x2b: {  	s6 =	sld [smem:$0x3FB4]  }
0x2c: {  	s7 =	sld [smem:$0x3FB5]  }
0x2d: {  	s3 =	simm.s32 $0x108;
	s8 =	sld [smem:$0x3FB6]  }
0x2e: {  	s3 =	simm.s32 @!p0 $0x1082;
	s9 =	sld [smem:$0x3FB7]  }
0x2f: {  	lr =	sadd.s32 s0, s3;
	s0 =	sld [smem:$0x3FAE]  }
0x30: {  	s3 =	sld [smem:$0x3FB1]  }
0x31: {  	[smem:$0x3FBA] =	sst s10  }
0x32: {  	s10 =	sld [smem:$0x3FB8];
	_ =	sdelay $0x3  }
0x33: {  	p0 =	seq.s32 s10, $0x1;
	s10 =	sld [smem:$0x3FBA];
	_ =	sdelay $0x3  }
0x34: {  	[smem:$0x3FBA] =	sst s10  }
0x35: {  	s10 =	sld [smem:$0x3FB9];
	_ =	sdelay $0x3  }
0x36: {  	p1 =	seq.s32 s10, $0x1;
	s10 =	sld [smem:$0x3FBA];
	_ =	sdelay $0x3  }
0x37: {  	[smem:$0x3FBA] =	sst s10  }
0x38: {  	s10 =	sld [smem:$0x3FBB]  }
0x39: {  	_ = 	snop;
	(pc) =	sbr.ind lr, $3  }
0x3a: {  	_ = 	snop  }
0x3b: {  	_ = 	snop  }
0x3c: {  	p2 =	seq.s32 s10, $0x1;
	s10 =	sld [smem:$0x3FBA]  }
0x3d: {  	_ =	shalt  }
0x3e: {  	_ =	shalt  }
0x3f: {  	_ =	shalt  }
0x40: {  	_ =	shalt  }
0x41: {  	_ =	shalt  }
0x42: {  	_ =	shalt  }
0x43: {  	_ =	shalt  }
0x44: {  	_ =	shalt  }
0x45: {  	_ =	shalt  }
0x46: {  	_ =	shalt  }
0x47: {  	_ =	shalt  }
0x48: {  	_ =	shalt  }
0x49: {  	_ =	shalt  }
0x4a: {  	_ =	shalt  }
0x4b: {  	_ =	shalt  }
0x4c: {  	_ =	shalt  }
0x4d: {  	_ =	shalt  }
0x4e: {  	_ =	shalt  }
0x4f: {  	_ =	shalt  }
0x50: {  	_ =	shalt  }
0x51: {  	_ =	shalt  }
0x52: {  	_ =	shalt  }
0x53: {  	_ =	shalt  }
0x54: {  	_ =	shalt  }
0x55: {  	_ =	shalt  }
0x56: {  	_ =	shalt  }
0x57: {  	_ =	shalt  }
0x58: {  	_ =	shalt  }
0x59: {  	_ =	shalt  }
0x5a: {  	_ =	shalt  }
0x5b: {  	_ =	shalt  }
0x5c: {  	_ =	shalt  }
0x5d: {  	_ =	shalt  }
0x5e: {  	_ =	shalt  }
0x5f: {  	_ =	shalt  }
0x60: {  	_ =	shalt  }
0x61: {  	_ =	shalt  }
0x62: {  	_ =	shalt  }
0x63: {  	_ =	shalt  }
0x64: {  	_ =	shalt  }
0x65: {  	_ =	shalt  }
0x66: {  	_ =	shalt  }
0x67: {  	_ =	shalt  }
0x68: {  	_ =	shalt  }
0x69: {  	_ =	shalt  }
0x6a: {  	_ =	shalt  }
0x6b: {  	_ =	shalt  }
0x6c: {  	_ =	shalt  }
0x6d: {  	_ =	shalt  }
0x6e: {  	_ =	shalt  }
0x6f: {  	_ =	shalt  }
0x70: {  	_ =	shalt  }
0x71: {  	_ =	shalt  }
0x72: {  	_ =	shalt  }
0x73: {  	_ =	shalt  }
0x74: {  	_ =	shalt  }
0x75: {  	_ =	shalt  }
0x76: {  	_ =	shalt  }
0x77: {  	_ =	shalt  }
0x78: {  	_ =	shalt  }
0x79: {  	_ =	shalt  }
0x7a: {  	_ =	shalt  }
0x7b: {  	_ =	shalt  }
0x7c: {  	_ =	shalt  }
0x7d: {  	_ =	shalt  }
0x7e: {  	_ =	shalt  }
0x7f: {  	_ =	shalt  }
0x80: {  	_ =	shalt  }
0x81: {  	_ =	shalt  }
0x82: {  	_ =	shalt  }
0x83: {  	_ =	shalt  }
0x84: {  	_ =	shalt  }
0x85: {  	_ =	shalt  }
0x86: {  	_ =	shalt  }
0x87: {  	_ =	shalt  }
.Lfunc_end0:
.L_simem_size_0:
called_computation_lowered:
.L_overlay_start_0:
0x88: {  	s2 =	sld [smem:$0x3FD9]  }
0x89: {  	s3 =	sld [smem:$0x3FFE];
	_ =	sdelay $0x1  }
0x8a: {  	s1 =	srdreg.scid  }
0x8b: {  	s0 =	sand.u32 $0x1, s1  }
0x8c: {  	s17 =	sshll.u32 s0, $0xA;
	s2 =	sadd.s32 s3, s2  }
0x8d: {  	s2 =	sadd.s32 s2, s17  }
0x8e: {  	[smem:$0x3FC6] =	sst s2  }
0x8f: {  	_ = 	snop  }
0x90: {  	s2 =	sld [smem:$0x3FD0];
	(tm) =	ssettm $0x1  }
0x91: {  	s18 =	sld [smem:$0x3FFB];
	_ =	sdelay $0x3  }
0x92: {  	_ =	strace s18  }
0x93: {  	s3 =	sld [smem:$0x3FFC];
	_ =	sdelay $0x3  }
0x94: {  	_ =	strace s3  }
0x95: {  	s3 =	sld [smem:$0x3FFD];
	_ =	sdelay $0x3  }
0x96: {  	_ =	strace s3  }
0x97: {  	_ =	strace $0x8FFFFFFF  }
0x98: {  	s19 =	sld [smem:$0x3FDB];
	_ =	sdelay $0x1  }
0x99: {  	s4 =	simm.s32 $_scs_section_size  }
0x9a: {  	s5 =	simm.s32 $_size__tile_overlayer_lowered;
	s6 =	simm.s32 $_tile_overlayer_lowered  }
0x9b: {  	s22 =	simm.s32 $0x1BFF;
	s21 =	sshll.u32 s6, $0x1;
	s3 =	sadd.s32 s4, s19  }
0x9c: {  	s7 =	simm.s32 $0x0;
	s20 =	sshll.u32 s5, $0x1;
	s5 =	sadd.s32 s21, s3  }
0x9d: {  	[timem:s7], [sflag:s22] =	dma.local [hbm:s5], s20  }
0x9e: {  	_ =	swait.ge [sflag:s22], s20  }
0x9f: {  	s4 =	ssub.s32 $0x0, s20;
	[sflag:s22] =	ssyncset.done $0x0  }
0xa0: {  	[sflag:s22] =	ssyncadd.s32 s4;
	_ =	sdelay $0x1  }
0xa1: {  	s23 =	simm.s32 $0x1B8B  }
0xa2: {  	_ =	swait.ge [sflag:s23], $0x1  }
0xa3: {  	[sflag:s23] =	ssyncset.done $0x0  }
0xa4: {  	s25 =	simm.s32 $0x1B8E;
	s24 =	sld [smem:$0x3FFE];
	[sflag:s23] =	ssyncadd.s32 $0xFFFFFFFF  }
0xa5: {  	s26 =	simm.s32 $execute0_lowered;
	[smem:$0x3FD2] =	sst s25  }
0xa6: {  	s5 =	sshll.u32 s26, $0x1;
	_ =	strace $0x80000046;
	[dreg:$0x1] =	wrdreg $0xFFFFFFFF  }
0xa7: {  	s28 =	simm.s32 $_size_execute0_lowered;
	s3 =	sadd.s32 s3, s5;
	[dreg:$0x0] =	wrdreg $0x0  }
0xa8: {  	s5 =	sshll.u32 s28, $0x1;
	[dreg:$0x2] =	wrdreg s3  }
0xa9: {  	[dreg:$0x3] =	wrdreg s5  }
0xaa: {  	[dreg:$0x4] =	wrdreg $0xC0  }
0xab: {  	_ =	task [dreg:s7], $0x5FFFF  }
0xac: {  	[dreg:$0x1] =	wrdreg $0xFFFFFFFF  }
0xad: {  	[dreg:$0x0] =	wrdreg $0x60  }
0xae: {  	[dreg:$0x2] =	wrdreg s2  }
0xaf: {  	[dreg:$0x3] =	wrdreg s24  }
0xb0: {  	[dreg:$0x4] =	wrdreg $0x9  }
0xb1: {  	_ =	task.clear_ibuf [dreg:s7], $0x5FFFF;
	_ =	strace $0x90000046  }
0xb2: {  	s29 =	simm.s32 $0x9;
	_ =	strace $0x80000048  }
0xb3: {  	_ =	swait.ge [sflag:s29], $0x1  }
0xb4: {  	[sflag:s29] =	ssyncadd.s32 $0xFFFFFFFF  }
0xb5: {  	_ =	strace $0x90000048  }
0xb6: {  	_ =	sfence  }
0xb7: {  	s30 =	sld [smem:$0x0];
	_ =	sdelay $0x2  }
0xb8: {  	s31 =	sshll.u32 s1, $0xD;
	s1 =	sshrl.u32 s1, $0x2  }
0xb9: {  	s3 =	sand.u32 $0x4000, s31;
	s1 =	sadd.s32 s1, s30  }
0xba: {  	s0 =	sor.u32 s3, s0;
	s1 =	sshll.u32 s1, $0x11  }
0xbb: {  	s0 =	sor.u32 s1, s0  }
0xbc: {  	s0 =	sadd.s32 $0x8F2B, s0  }
0xbd: {  	[sflag:s0] =	ssyncadd.remote.s32 $0x1  }
0xbe: {  	_ =	sfence.sel $0xFFFF  }
0xbf: {  	[dreg:$0x0] =	wrdreg $0xFFFFFFFF;
	(pc) =	sbr.abs _section_cstart, $3  }
0xc0: {  	[dreg:$0x1] =	wrdreg $0xFFFFFFFF  }
0xc1: {  	_ =	task.clear_ibuf [dreg:s7], $0x2FFFF;
	_ =	strace $0x9FFFFFFF  }
0xc2: {  	(tm) =	ssettm $0x7FFFFFFF  }
0xc3: {  	_ =	shalt  }
tec
execute0_lowered:
.L_overlay_start_1:
0x0: {  	(tag) =	ssettag $0x1  }
0x1: {  	s1 =	stileid.u32  }
0x2: {  	p0 =	sgt.u32 s1, $0x7  }
.Ltmp0:
0x3: {  	_ = 	snop;
	(pc) =	sbr.rel @p0 .LBB2_11-.Ltmp0, $4  }
0x4: {  	s4 =	rddreg [dreg:$0x0]  }
0x5: {  	s3 =	rddreg [dreg:$0x1];
	s2 =	simm.s32 $0x0  }
0x6: {  	[smem:$0x7FF] =	sst s2  }
0x7: {  	s0 =	rddreg [dreg:$0x2];
	_ =	strace $0x80000047  }
0x8: {  	v0 =	vimm.s32 $0xEFCDAB89  }
0x9: {  	v1 =	vimm.s32 $0x67452301;
	v0 =	vunpack.c.l.s4.s8 v0  }
0xa: {  	v4 =	vimm.s32 $0xBA98FEDC;
	v6 =	vimm.s32 $0x32107654;
	v1 =	vunpack.c.l.s4.s8 v1  }
0xb: {  	v7 =	vimm.s32 $0x76543210;
	v2 =	vunpack.c.0.s8.s32 v0;
	v0 =	vimm.s32 $0xDCFE98BA  }
0xc: {  	v1 =	vunpack.c.0.s8.s32 v1;
	v3 =	vunpack.c.l.s4.s8 v0;
	v0 =	vimm.s32 $0x54761032  }
0xd: {  	v8 =	vimm.s32 $0xEDCBA987;
	v9 =	vimm.s32 $0x65432100;
	v5 =	vunpack.c.l.s4.s8 v0  }
0xe: {  	v4 =	vunpack.c.l.s4.s8 v4;
	v6 =	vunpack.c.l.s4.s8 v6;
	v1 =	vcombine.low v1, v2  }
0xf: {  	v2 =	vunpack.c.0.s8.s32 v3;
	v3 =	vunpack.c.0.s8.s32 v5;
	v5 =	vimm.s32 $0xFEDCBA98  }
0x10: {  	v10 =	vimm.s32 $0x32100000;
	v8 =	vunpack.c.l.s4.s8 v8;
	v5 =	vunpack.c.l.s4.s8 v5  }
0x11: {  	v7 =	vunpack.c.l.s4.s8 v7;
	v4 =	vunpack.c.0.s8.s32 v4;
	v6 =	vunpack.c.0.s8.s32 v6  }
0x12: {  	v9 =	vunpack.c.l.s4.s8 v9;
	v8 =	vunpack.c.0.s8.s32 v8;
	v5 =	vunpack.c.0.s8.s32 v5  }
0x13: {  	v7 =	vunpack.c.0.s8.s32 v7;
	v2 =	vcombine.low v3, v2;
	v3 =	vcombine.low v6, v4  }
0x14: {  	v6 =	vand.u32 $0xF, v8;
	v8 =	vimm.s32 $0xDCBA9876;
	v5 =	vand.u32 $0xF, v5  }
0x15: {  	v11 =	vimm.s32 $0xE40000;
	v8 =	vunpack.c.l.s4.s8 v8;
	v4 =	vcombine.low v5, v7  }
0x16: {  	v5 =	vunpack.c.0.s8.s32 v9;
	v7 =	vimm.s32 $0x54321000;
	v9 =	vimm.s32 $0xBA987654  }
0x17: {  	v11 =	vunpack.c.l.s2.s4 v11;
	v7 =	vunpack.c.l.s4.s8 v7;
	v9 =	vunpack.c.l.s4.s8 v9  }
0x18: {  	vm0 =	vmmov $0x3;
	v10 =	vunpack.c.l.s4.s8 v10;
	v8 =	vunpack.c.0.s8.s32 v8  }
0x19: {  	v11 =	vunpack.c.l.s4.s8 v11;
	v7 =	vunpack.c.0.s8.s32 v7;
	v9 =	vunpack.c.0.s8.s32 v9  }
0x1a: {  	s5 =	srdreg.scid;
	vm1 =	vmmov $0xf;
	v10 =	vunpack.c.0.s8.s32 v10;
	v8 =	vand.u32 $0xF, v8  }
0x1b: {  	s6 =	sshll.u32 s1, $0x7;
	s5 =	sand.u32 $0x1, s5;
	v11 =	vunpack.c.0.s8.s32 v11;
	v7 =	vcombine.low v7, v8;
	v8 =	vand.u32 $0xF, v9  }
0x1c: {  	vm2 =	vcmask $0x3F30;
	s8 =	simm.s32 $0x0;
	s7 =	sshll.u32 s5, $0x6;
	s5 =	ssub.s32 $0x2, s5;
	v8 =	vcombine.low v10, v8;
	v10 =	vimm.s32 $0x7060504  }
0x1d: {  	s6 =	sor.u32 s7, s6;
	s31 =	sshrl.u32 s5, $0x1;
	s7 =	simm.s32 $0x200;
	v0 =	vimm.s32 $0x1;
	v11 =	vand.u32 $0x3, v11;
	v10 =	vunpack.c.0.s8.s32 v10  }
0x1e: {  	s3 =	sadd.s32 s6, s3;
	s5 =	ssub.s32 s5, s31;
	s4 =	sadd.s32 s4, s6;
	v5 =	vcombine.low v5, v6;
	v6 =	vimm.s32 $0x0;
	v9 =	vlaneseq.u32  }
0x1f: {  	s6 =	simm.s32 $0x1;
	s3 =	sadd.s32 $0x1200, s3;
	s5 =	smax.u32 s5, $0x1;
	v10 =	vsel vm2, v10, v11;
	vm2 =	vmmov $0xff;
	v11 =	vimm.f32 $0.0e+00  }
.LBB2_2:
0x20: {  	s9 =	simm.s32 $0x0  }
0x21: {  	[tilespmem:s9], [sflag:$0x1] =	stream.linear.gather [hbm4b:s4+s9], $0x200, $0x38;
	[tilespmem:$0x400] =	vst v63  }
0x22: {  	_ =	swait.ge [sflag:s6], $0x200  }
0x23: {  	[sflag:s6] =	ssyncset.done $0x0  }
0x24: {  	v12 =	vimm.s32 $0x0;
	[sflag:s6] =	ssyncadd.s32 $0xFFFFFE00  }
.LBB2_3:
0x25: {  	s10 =	ssub.s32 $0x1E, s9  }
0x26: {  	v13 =	vshll.u32 v0, s10  }
0x27: {  	s11 =	simm.s32 $0x0;
	v13 =	vbroadcast v13, $0x0  }
0x28: {  	v15 =	vld [tilespmem:s11+$0x0]  }
0x29: {  	v14 =	vimm.s32 $0x0;
	s10 =	simm.s32 $0x40;
	v13 =	vor.u32 v12, v13  }
.LBB2_4:
0x2a: {  	p0 =	sne.s32 s10, $0x7C0  }
.Ltmp1:
0x2b: {  	_ = 	snop;
	(pc) =	sbr.rel @p0 .LBB2_4-.Ltmp1, $4  }
0x2c: {  	_ = 	snop  }
0x2d: {  	s11 =	sshra.s32 s10, $0x2;
	s10 =	sadd.s32 $0x40, s10;
	vm3 =	vlt.s32 v15, v13  }
0x2e: {  	v15 =	vld [tilespmem:s11+$0x0];
	v16 =	vsel vm3, $0x1, v6  }
0x2f: {  	v14 =	vadd.s32 v16, v14  }
0x30: {  	_ =	sdelay $0x2  }
0x31: {  	vm3 =	vlt.s32 v15, v13  }
0x32: {  	v15 =	vsel vm3, $0x1, v6  }
0x33: {  	v14 =	vadd.s32 v15, v14  }
0x34: {  	v15 =	vperm.xlane v14, v1;
	_ =	sdelay $0x1  }
0x35: {  	v14 =	vadd.s32 v14, v15  }
0x36: {  	v15 =	vperm.xlane v14, v2;
	_ =	sdelay $0x1  }
0x37: {  	v14 =	vadd.s32 v15, v14  }
0x38: {  	v15 =	vperm.xlane v14, v3  }
0x39: {  	s9 =	sadd.s32 $0x1, s9  }
0x3a: {  	p0 =	sne.s32 s9, $0x1F;
	v14 =	vadd.s32 v15, v14  }
.Ltmp2:
0x3b: {  	v15 =	vperm.xlane v14, v4;
	(pc) =	sbr.rel @p0 .LBB2_3-.Ltmp2, $4  }
0x3c: {  	_ = 	snop  }
0x3d: {  	v14 =	vadd.s32 v15, v14  }
0x3e: {  	vm3 =	vlt.s32 v14, $0x80  }
0x3f: {  	v12 =	vsel vm3, v13, v12  }
0x40: {  	s10 =	simm.s32 $0x0  }
0x41: {  	v14 =	vld [tilespmem:s10+$0x0]  }
0x42: {  	v13 =	vimm.s32 $0x0;
	s9 =	simm.s32 $0x40  }
.LBB2_7:
0x43: {  	p0 =	sne.s32 s9, $0x7C0  }
.Ltmp3:
0x44: {  	_ = 	snop;
	(pc) =	sbr.rel @p0 .LBB2_7-.Ltmp3, $4  }
0x45: {  	_ = 	snop  }
0x46: {  	s10 =	sshra.s32 s9, $0x2;
	s9 =	sadd.s32 $0x40, s9;
	vm3 =	vlt.s32 v14, v12  }
0x47: {  	v14 =	vld [tilespmem:s10+$0x0];
	v15 =	vsel vm3, $0x1, v6  }
0x48: {  	v13 =	vadd.s32 v15, v13  }
0x49: {  	_ =	sdelay $0x2  }
0x4a: {  	s11 =	simm.s32 $0x0;
	vm3 =	vlt.s32 v14, v12  }
0x4b: {  	v15 =	vld [tilespmem:s11+$0x0];
	v14 =	vsel vm3, $0x1, v6  }
0x4c: {  	v13 =	vadd.s32 v14, v13  }
0x4d: {  	v14 =	vperm.xlane v13, v1;
	_ =	sdelay $0x1  }
0x4e: {  	v13 =	vadd.s32 v13, v14  }
0x4f: {  	vm4 =	veq.s32 v15, v12;
	v14 =	vperm.xlane v13, v2  }
0x50: {  	v16 =	vsel vm4, $0x1, v6  }
0x51: {  	v17 =	vperm.xlane v16, v1;
	v13 =	vadd.s32 v14, v13;
	v14 =	vperm.xlane v16, v5  }
0x52: {  	vm3 =	veq.s32 v9, $0x0;
	v18 =	vperm.xlane v13, v3  }
0x53: {  	s9 =	simm.s32 $0x10;
	v17 =	vadd.s32 v16, v17;
	v14 =	vsel vm3, $0x0, v14  }
0x54: {  	v13 =	vadd.s32 v18, v13;
	v18 =	vld [tilespmem:s9+$0x0];
	v14 =	vadd.s32 v16, v14;
	v16 =	vperm.xlane v17, v2  }
0x55: {  	v19 =	vperm.xlane v13, v4;
	v20 =	vperm.xlane v14, v7  }
0x56: {  	v16 =	vadd.s32 v16, v17  }
0x57: {  	v13 =	vadd.s32 v13, v19;
	v17 =	vsel vm0, $0x0, v20;
	v19 =	vperm.xlane v16, v3  }
0x58: {  	vm6 =	vlt.s32 v15, v12;
	vm7 =	vmmov vm4;
	v14 =	vadd.s32 v17, v14  }
0x59: {  	vm5 =	veq.s32 v18, v12;
	v17 =	vperm.xlane v14, v8;
	v16 =	vadd.s32 v19, v16  }
0x5a: {  	v20 =	vimm.s32 $0x0;
	v19 =	vsel vm5, $0x1, v6;
	v15 =	vperm.xlane v16, v4  }
0x5b: {  	v21 =	vperm.xlane v19, v5;
	v22 =	vperm.xlane v19, v1;
	v17 =	vsel vm1, $0x0, v17  }
0x5c: {  	vm6 =	vmmov vm6;
	v14 =	vadd.s32 v17, v14;
	v15 =	vadd.s32 v20, v15  }
0x5d: {  	s10 =	simm.s32 $0x20;
	v17 =	vsel vm3, $0x0, v21;
	v21 =	vadd.s32 v19, v22;
	v16 =	vadd.s32 v16, v15  }
0x5e: {  	v15 =	vld [tilespmem:s10+$0x0];
	v22 =	vperm.xlane v14, v10;
	v17 =	vadd.s32 v19, v17;
	v19 =	vperm.xlane v21, v2  }
0x5f: {  	vm8 =	vmmov vm7;
	vm4 =	vlt.s32 v18, v12;
	v18 =	vperm.xlane v17, v7  }
0x60: {  	v13 =	vsub.s32 $0x80, v13;
	v19 =	vadd.s32 v19, v21;
	v21 =	vsel vm2, $0x0, v22  }
0x61: {  	v18 =	vsel vm0, $0x0, v18;
	v22 =	vperm.xlane v19, v3;
	v20 =	vadd.s32 v20, v21  }
0x62: {  	vm7 =	vmmov vm5;
	v17 =	vadd.s32 v18, v17;
	v14 =	vadd.s32 v14, v20  }
0x63: {  	vm5 =	veq.s32 v15, v12;
	v18 =	vperm.xlane v17, v8;
	v19 =	vadd.s32 v22, v19  }
0x64: {  	v21 =	vsel vm5, $0x1, v6;
	vm9 =	vle.s32 v14, v13;
	v20 =	vperm.xlane v19, v4  }
0x65: {  	v14 =	vperm.xlane v21, v5;
	v22 =	vperm.xlane v21, v1;
	v18 =	vsel vm1, $0x0, v18  }
0x66: {  	vm8 =	vmand vm8, vm9;
	v18 =	vadd.s32 v18, v17;
	v17 =	vadd.s32 v16, v20  }
0x67: {  	s12 =	simm.s32 $0x30;
	v23 =	vsel vm3, $0x0, v14;
	v20 =	vadd.s32 v21, v22;
	v14 =	vadd.s32 v19, v17  }
0x68: {  	s13 =	simm.s32 $0x100;
	s14 =	simm.s32 $0x140;
	v17 =	vld [tilespmem:s12+$0x0];
	v19 =	vadd.s32 v21, v23;
	v22 =	vperm.xlane v20, v2;
	v21 =	vperm.xlane v18, v10  }
.LBB2_9:
0x69: {  	v23 =	vperm.xlane v19, v7;
	vm9 =	vmor vm6, vm8;
	vm6 =	vmmov vm4  }
0x6a: {  	p0 =	sne.s32 s14, $0x7C0;
	vm4 =	vlt.s32 v15, v12;
	vm8 =	vmmov vm7;
	vm7 =	vmmov vm5  }
0x6b: {  	v15 =	vadd.s32 v22, v20;
	v20 =	vsel vm2, $0x0, v21;
	v21 =	vsel vm9, $0x3F800000, v11  }
0x6c: {  	v22 =	vsel vm0, $0x0, v23;
	v23 =	vperm.xlane v15, v3;
	v20 =	vadd.s32 v16, v20;
	[tilespmem:s11+$0x200] =	vst v21;
	v16 =	vmovc v14;
	s11 =	smov.u32 s9;
	s9 =	smov.u32 s10;
	s10 =	smov.u32 s12  }
0x6d: {  	v19 =	vadd.s32 v22, v19;
	v18 =	vadd.s32 v18, v20  }
0x6e: {  	vm5 =	veq.s32 v17, v12;
	v20 =	vperm.xlane v19, v8;
	v21 =	vadd.s32 v23, v15;
	v15 =	vmovc v17  }
.Ltmp4:
0x6f: {  	vm9 =	vle.s32 v18, v13;
	v22 =	vsel vm5, $0x1, v6;
	v17 =	vperm.xlane v21, v4;
	(pc) =	sbr.rel @p0 .LBB2_9-.Ltmp4, $4  }
0x70: {  	v23 =	vperm.xlane v22, v5;
	v24 =	vperm.xlane v22, v1;
	v18 =	vsel vm1, $0x0, v20  }
0x71: {  	vm8 =	vmand vm8, vm9;
	v18 =	vadd.s32 v18, v19;
	v14 =	vadd.s32 v14, v17  }
0x72: {  	s12 =	sshra.s32 s13, $0x2;
	s13 =	smov.u32 s14;
	v19 =	vsel vm3, $0x0, v23;
	v20 =	vadd.s32 v22, v24;
	v14 =	vadd.s32 v21, v14  }
0x73: {  	s14 =	sadd.s32 $0x40, s14;
	v21 =	vperm.xlane v18, v10;
	v17 =	vld [tilespmem:s12+$0x0];
	v19 =	vadd.s32 v22, v19;
	v22 =	vperm.xlane v20, v2  }
0x74: {  	v23 =	vperm.xlane v19, v7  }
0x75: {  	vm3 =	vmor vm6, vm8;
	vm13 =	veq.s32 v9, $0x0;
	vm9 =	vlt.s32 v15, v12  }
0x76: {  	vm10 =	vmmov vm4;
	vm5 =	vmmov vm5;
	v24 =	vsel vm3, $0x3F800000, v11  }
0x77: {  	s31 =	sshra.s32 s13, $0x2;
	v20 =	vadd.s32 v22, v20;
	vm3 =	vmmov vm7;
	v21 =	vsel vm2, $0x0, v21;
	[tilespmem:s11+$0x200] =	vst v24  }
0x78: {  	vm15 =	vmmov vm9;
	vm5 =	vmmov vm5;
	v36 =	vsel vm0, $0x0, v23;
	v39 =	vld [tilespmem:s31+$0x0]  }
0x79: {  	v37 =	vperm.xlane v20, v3;
	v16 =	vadd.s32 v16, v21;
	v38 =	vadd.s32 v36, v19  }
0x7a: {  	v16 =	vadd.s32 v18, v16;
	vm6 =	veq.s32 v17, v12;
	v40 =	vperm.xlane v38, v8  }
0x7b: {  	v41 =	vadd.s32 v37, v20;
	vm12 =	vle.s32 v16, v13;
	vm14 =	vlt.s32 v17, v12  }
0x7c: {  	v42 =	vsel vm6, $0x1, v6;
	v23 =	vperm.xlane v41, v4;
	vm7 =	vmand vm3, vm12  }
0x7d: {  	vm6 =	vmmov vm6;
	vm4 =	vmmov vm14;
	vm3 =	veq.s32 v39, v12  }
0x7e: {  	v43 =	vsel vm1, $0x0, v40;
	v44 =	vperm.xlane v42, v5;
	v46 =	vsel vm3, $0x1, v6  }
0x7f: {  	v45 =	vperm.xlane v42, v1;
	vm7 =	vmor vm10, vm7;
	v47 =	vperm.xlane v46, v5  }
0x80: {  	vm6 =	vmmov vm6;
	v16 =	vadd.s32 v43, v38;
	v21 =	vsel vm13, $0x0, v44  }
0x81: {  	v19 =	vadd.s32 v42, v45;
	v20 =	vadd.s32 v42, v21;
	v48 =	vsel vm13, $0x0, v47  }
0x82: {  	v50 =	vperm.xlane v16, v10;
	v51 =	vperm.xlane v20, v7;
	v15 =	vadd.s32 v46, v48  }
0x83: {  	v23 =	vadd.s32 v14, v23;
	v49 =	vperm.xlane v19, v2;
	v52 =	vperm.xlane v15, v7  }
0x84: {  	v18 =	vadd.s32 v41, v23;
	v17 =	vsel vm2, $0x0, v50;
	v23 =	vsel vm0, $0x0, v51  }
0x85: {  	v19 =	vadd.s32 v49, v19;
	v20 =	vadd.s32 v23, v20;
	v21 =	vsel vm0, $0x0, v52  }
0x86: {  	v53 =	vadd.s32 v14, v17;
	v23 =	vperm.xlane v20, v8;
	v15 =	vadd.s32 v21, v15  }
0x87: {  	v54 =	vperm.xlane v19, v3;
	v14 =	vadd.s32 v16, v53;
	v56 =	vperm.xlane v15, v8  }
0x88: {  	v57 =	vsel vm7, $0x3F800000, v11;
	vm11 =	vle.s32 v14, v13;
	v58 =	vsel vm1, $0x0, v23  }
0x89: {  	v17 =	vadd.s32 v54, v19;
	v14 =	vadd.s32 v58, v20;
	v19 =	vsel vm1, $0x0, v56  }
0x8a: {  	v55 =	vperm.xlane v17, v4;
	v20 =	vperm.xlane v14, v10;
	v15 =	vadd.s32 v19, v15  }
0x8b: {  	vm12 =	vlt.s32 v39, v12;
	vm3 =	vmmov vm3;
	v59 =	vperm.xlane v15, v10  }
0x8c: {  	vm3 =	vmmov vm3;
	v16 =	vadd.s32 v18, v55;
	v60 =	vsel vm2, $0x0, v20  }
0x8d: {  	v16 =	vadd.s32 v17, v16;
	v17 =	vadd.s32 v18, v60;
	v12 =	vsel vm2, $0x0, v59  }
0x8e: {  	vm5 =	vmand vm5, vm11;
	v14 =	vadd.s32 v14, v17;
	v12 =	vadd.s32 v16, v12  }
0x8f: {  	vm5 =	vmor vm15, vm5;
	vm13 =	vle.s32 v14, v13;
	v12 =	vadd.s32 v15, v12  }
0x90: {  	v61 =	vsel vm5, $0x3F800000, v11;
	vm5 =	vmand vm6, vm13;
	vm14 =	vle.s32 v12, v13  }
0x91: {  	[tilespmem:s9+$0x200] =	vst v57;
	vm15 =	vmmov vm12;
	vm4 =	vmor vm4, vm5;
	vm3 =	vmand vm3, vm14  }
0x92: {  	s8 =	sadd.s32 $0x1, s8;
	[tilespmem:s10+$0x200] =	vst v61;
	v62 =	vsel vm4, $0x3F800000, v11;
	vm3 =	vmor vm15, vm3  }
0x93: {  	p0 =	sne.s32 s8, s5;
	[tilespmem:s12+$0x200] =	vst v62;
	v63 =	vsel vm3, $0x3F800000, v11  }
.Ltmp5:
0x94: {  	[tilespmem:s31+$0x200] =	vst v63;
	(pc) =	sbr.rel @p0 .LBB2_2-.Ltmp5, $4  }
0x95: {  	[hbm4b:s3+s2] =	stream.linear.scatter [tilespmem:s7], [sflag:$0x1], $0x200, $0x38;
	[tilespmem:$0x400] =	vst v63  }
0x96: {  	_ =	swait.ge [sflag:s6], $0x200  }
0x97: {  	[sflag:s6] =	ssyncset.done $0x0  }
0x98: {  	[sflag:s6] =	ssyncadd.s32 $0xFFFFFE00  }
.LBB2_11:
0x99: {  	_ =	sfence.sel $0x180000  }
0x9a: {  	[bflag:$0x0] =	sbarrier.arrive $0xFFFF  }
0x9b: {  	p0 =	sne.s32 s1, $0x0;
	_ =	strace $0x90000047  }
0x9c: {  	s0 =	sadd.s32 @!p0 $0x100000, s0;
	[bflag:$0x2] =	sbarrier.arrive $0xFFFF  }
0x9d: {  	[sflag:s0] =	ssyncadd.tile.s32 @!p0 $0x1;
	_ =	shalt  }
.Lfunc_end2:
_tile_overlayer_lowered:
.L_overlay_start_2:
0x9e: {  	(tag) =	ssettag $0x2  }
0x9f: {  	s0 =	rddreg [dreg:$0x0];
	s2 =	stileid.u32  }
0xa0: {  	s1 =	rddreg [dreg:$0x1];
	p0 =	sne.s32 s2, $0x0  }
0xa1: {  	s3 =	rddreg [dreg:$0x2];
	[bflag:$0x3] =	sbarrier.arrive $0xFFFF;
	s2 =	simm.s32 @!p0 $0x1C01  }
0xa2: {  	[timem:s3], [sflag:s2] =	dma.local @!p0 [hbm:s0], s1  }
0xa3: {  	s0 =	simm.s32 @!p0 $0x1  }
0xa4: {  	_ =	swait.ge @!p0 [sflag:s0], s1  }
0xa5: {  	s1 =	ssub.s32 @!p0 $0x0, s1;
	[sflag:s0] =	ssyncset.done @!p0 $0x0  }
0xa6: {  	[sflag:s0] =	ssyncadd.s32 @!p0 s1  }
0xa7: {  	[bflag:$0x3] =	sbarrier.arrive $0xFFFF  }
0xa8: {  	_ =	shalt  }

</sc_bundles>
